<compile_context>
chip_gen: v7x
topology: tpu7x:2x2x1
jax: 0.10.2.dev20260603
libtpu: 0.0.44.dev20260713+nightly
codegen_flags: <defaults>
</compile_context>

<pallas_src>
import functools

import jax
import jax.numpy as jnp
from jax import lax
from jax.experimental import pallas as pl
from jax.experimental.pallas import tpu as pltpu
from jax.experimental.pallas import tpu_sc as plsc

_K = 64
_NCAND = 32768
_NSAMP = 1024
_LANES = 16
_ROWS_PER_SAMPLE = _NCAND // _LANES


_NSLAB = 4


def _topk_body(x_ref, vals_ref, idx_ref):
    x3 = x_ref[...].reshape(_NSLAB, 64, 128)
    rows = lax.broadcasted_iota(jnp.int32, (_NSLAB, 64, 128), 1)
    slabs = lax.broadcasted_iota(jnp.int32, (_NSLAB, 64, 128), 0)
    cols = lax.broadcasted_iota(jnp.int32, (_NSLAB, 64, 128), 2)
    flat3 = (slabs * 64 + rows) * 128 + cols
    col64 = lax.broadcasted_iota(jnp.int32, (_NSLAB, _K), 1)
    big = jnp.int32(0x7FFFFFFF)

    def step(i, carry):
        x, cv, ci = carry
        m = jnp.max(x, axis=(1, 2), keepdims=True)
        j = jnp.min(
            jnp.where(x == m, flat3, big), axis=(1, 2), keepdims=True
        )
        cv = jnp.where(col64 == i, m[:, :, 0], cv)
        ci = jnp.where(col64 == i, j[:, :, 0], ci)
        x = jnp.where(flat3 == j, -jnp.inf, x)
        return x, cv, ci

    _, cv, ci = lax.fori_loop(
        0, _K, step,
        (
            x3,
            jnp.zeros((_NSLAB, _K), jnp.float32),
            jnp.zeros((_NSLAB, _K), jnp.int32),
        ),
    )

    v2 = jnp.concatenate(
        [cv[s : s + 1, :] for s in range(_NSLAB)], axis=1
    )
    i2 = jnp.concatenate(
        [ci[s : s + 1, :] for s in range(_NSLAB)], axis=1
    )
    v1 = jnp.transpose(v2, (1, 0))
    i1 = jnp.transpose(i2, (1, 0))
    beats = jnp.logical_or(
        v2 > v1, jnp.logical_and(v2 == v1, i2 < i1)
    )
    rank = jnp.sum(jnp.where(beats, 1, 0), axis=1, keepdims=True)
    k64 = lax.broadcasted_iota(jnp.int32, (1, _K), 1)
    onehot = rank == k64
    vals_ref[...] = jnp.sum(
        jnp.where(onehot, v1, 0.0), axis=0, keepdims=True
    )
    idx_ref[...] = jnp.sum(
        jnp.where(onehot, i1, 0), axis=0, keepdims=True
    )


def _topk(coef):
    x = coef.reshape(256, 128)
    vals, idx = pl.pallas_call(
        _topk_body,
        out_shape=(
            jax.ShapeDtypeStruct((1, _K), jnp.float32),
            jax.ShapeDtypeStruct((1, _K), jnp.int32),
        ),
        in_specs=[pl.BlockSpec(memory_space=pltpu.VMEM)],
        out_specs=(
            pl.BlockSpec(memory_space=pltpu.VMEM),
            pl.BlockSpec(memory_space=pltpu.VMEM),
        ),
    )(x)
    return vals.reshape(_K), idx.reshape(_K)


def _sc_gather_call(table_flat, idx, vals):
    info = plsc.get_sparse_core_info()
    nc, ns = info.num_cores, info.num_subcores
    nw = nc * ns
    spw = _NSAMP // nw
    n_el = spw * _K
    chunk = 128
    n_chunks = n_el // chunk

    mesh = plsc.VectorSubcoreMesh(core_axis_name="c", subcore_axis_name="s")

    @functools.partial(
        pl.kernel,
        mesh=mesh,
        out_type=jax.ShapeDtypeStruct((_NSAMP, _LANES), jnp.float32),
        scratch_types=[
            pltpu.VMEM((_K,), jnp.int32),
            pltpu.VMEM((_K,), jnp.float32),
            pltpu.VMEM((n_el,), jnp.int32),
            pltpu.VMEM((n_el,), jnp.float32),
            pltpu.VMEM((spw, _LANES), jnp.float32),
            pltpu.SemaphoreType.DMA,
        ],
    )
    def k(table_hbm, idx_hbm, val_hbm, out_hbm, idx_v, val_v, flat_v,
          gath_v, out_v, sem):
        wid = lax.axis_index("s") * nc + lax.axis_index("c")
        base_sample = wid * spw

        pltpu.sync_copy(idx_hbm, idx_v)
        pltpu.sync_copy(val_hbm, val_v)

        idx_chunks = []
        for kc in range(_K // _LANES):
            iv = idx_v[pl.ds(kc * _LANES, _LANES)]
            idx_chunks.append(
                lax.shift_left(lax.shift_right_logical(iv, 7), 10)
                + jnp.bitwise_and(iv, 127)
            )

        def build(s, _):
            sg = base_sample + s
            sbase = (
                lax.shift_left(lax.shift_right_logical(sg, 3), 18)
                + lax.shift_left(jnp.bitwise_and(sg, 7), 7)
            )
            for kc in range(_K // _LANES):
                flat_v[pl.ds(s * _K + kc * _LANES, _LANES)] = (
                    sbase + idx_chunks[kc]
                )
            return 0

        lax.fori_loop(0, spw, build, 0)

        copies = []
        for c in range(n_chunks):
            copies.append(
                pltpu.async_copy(
                    table_hbm.at[flat_v.at[pl.ds(c * chunk, chunk)]],
                    gath_v.at[pl.ds(c * chunk, chunk)],
                    sem,
                )
            )
        for cp in copies:
            cp.wait()

        pvals = [
            val_v[pl.ds(kc * _LANES, _LANES)] for kc in range(_K // _LANES)
        ]

        def extract(s, _):
            acc = jnp.zeros((_LANES,), jnp.float32)
            for kc in range(_K // _LANES):
                v = gath_v[pl.ds(s * _K + kc * _LANES, _LANES)]
                acc = acc + v * pvals[kc]
            out_v[s, :] = acc
            return 0

        lax.fori_loop(0, spw, extract, 0)

        pltpu.sync_copy(out_v, out_hbm.at[pl.ds(base_sample, spw)])

    return k(table_flat, idx, vals)


def _finish_body(p_ref, out_ref):
    p = p_ref[...]
    s = jnp.sum(p, axis=1, keepdims=True)
    out_ref[0, 0] = jnp.sum(jnp.log(s)) * (1.0 / _NSAMP)


def _finish(partials):
    out = pl.pallas_call(
        _finish_body,
        out_shape=jax.ShapeDtypeStruct((1, 1), jnp.float32),
        in_specs=[pl.BlockSpec(memory_space=pltpu.VMEM)],
        out_specs=pl.BlockSpec(memory_space=pltpu.SMEM),
    )(partials)
    return out.reshape(())


def kernel(inputs, coef_output_avg, sample_prob_all):
    del inputs
    vals, idx = _topk(coef_output_avg)
    table_flat = (
        sample_prob_all.reshape(_NSAMP // 8, 8, _NCAND // 128, 128)
        .transpose(0, 2, 1, 3)
        .reshape(_NSAMP * _NCAND)
    )
    partials = _sc_gather_call(table_flat, idx, vals)
    return _finish(partials)

# --- scband reference (transcript-rebuilt; emitter-appended) ---
"""Pipeline reference for scband-decoder-21492016349709 (READ-ONLY COPY).

The authoritative reference and input builder live on the scoring server;
editing this copy changes nothing except your own understanding.
"""

import jax, jax.numpy as jnp
import numpy as np

SPARSITY = 64
N_CANDIDATES = 32768  # sum(coef_config)
N_SAMPLES = 1024
N_NODES = 9


def setup_inputs(seed: int = 0) -> dict:
    key = jax.random.key(seed)
    k1, k2, k3 = jax.random.split(key, 3)
    inputs = jax.random.normal(k1, (N_SAMPLES, N_NODES), dtype=jnp.float32)
    # Averaged coefficient-space output of the encoder, already concatenated
    # across nodes/categories (tf.concat(coef_output_avg, axis=0)).
    coef_output_avg = jax.random.uniform(k2, (N_CANDIDATES,), dtype=jnp.float32)
    # Oracle table standing in for oracle.get_sample_probability: probability of
    # each sample under each candidate first-order intervention location.
    sample_prob_all = jax.random.uniform(k3, (N_SAMPLES, N_CANDIDATES), dtype=jnp.float32) * 0.99 + 0.01
    return {"inputs": inputs, "coef_output_avg": coef_output_avg, "sample_prob_all": sample_prob_all}


def reference(inputs, coef_output_avg, sample_prob_all):
    # top-|sparsity| most probable interventions in the mixture
    interv_loc_prob, indices = jax.lax.top_k(coef_output_avg, SPARSITY)
    # oracle.get_sample_probability(interv_locs, inputs): gather the sample
    # probabilities for the selected intervention locations -> [n_samples, k]
    sample_loc_prob = jnp.take(sample_prob_all, indices, axis=1)
    # _calculate_sample_likliehood
    sample_prob = jnp.sum(interv_loc_prob[None, :] * sample_loc_prob, axis=1)
    sample_logprob = jnp.log(sample_prob)
    all_sample_logprob = jnp.mean(sample_logprob)
    return all_sample_logprob

if __name__ == "__main__":
    import jax
    _d = setup_inputs()
    print(jax.jit(kernel)(*tuple(_d.values())))

</pallas_src>

<mosaic_0001>
#map = affine_map<(d0, d1) -> (0)>
#map1 = affine_map<(d0, d1) -> (0, 0)>
module attributes {stable_mosaic.version = 14 : i64} {
  func.func @k(%arg0: i32, %arg1: i32, %arg2: memref<33554432xf32, #tpu.memory_space<hbm>>, %arg3: memref<64xi32, #tpu.memory_space<hbm>>, %arg4: memref<64xf32, #tpu.memory_space<hbm>>, %arg5: memref<1024x16xf32, #tpu.memory_space<hbm>>, %arg6: memref<64xi32, #tpu.memory_space<vmem>>, %arg7: memref<64xf32, #tpu.memory_space<vmem>>, %arg8: memref<2048xi32, #tpu.memory_space<vmem>>, %arg9: memref<2048xf32, #tpu.memory_space<vmem>>, %arg10: memref<32x16xf32, #tpu.memory_space<vmem>>, %arg11: memref<!tpu.dma_semaphore, #tpu.memory_space<semaphore_mem>>) attributes {dimension_semantics = [#tpu.dimension_semantics<core_parallel>, #tpu.dimension_semantics<subcore_parallel>], iteration_bounds = array<i64: 2, 16>, scalar_prefetch = 0 : i64, scratch_operands = 6 : i64, tpu.core_type = #tpu.core_type<sc_vector_subcore>, window_params = [{transform_indices = #map}, {transform_indices = #map}, {transform_indices = #map}, {transform_indices = #map1}]} {
    %mul3A = arith.constant 2 : i32
    %mul3A_0 = arith.muli %arg1, %mul3A : i32
    %add3A = arith.addi %mul3A_0, %arg0 : i32
    %mul3A_1 = arith.constant 32 : i32
    %mul3A_2 = arith.muli %add3A, %mul3A_1 : i32
    "tpu.region"() ({
      %run_scoped3A = tpu.sem_alloc : memref<!tpu.dma_semaphore, #tpu.memory_space<semaphore_mem>>
      tpu.enqueue_dma source(%arg3 : memref<64xi32, #tpu.memory_space<hbm>>) target(%arg6 : memref<64xi32, #tpu.memory_space<vmem>>) target_semaphore(%run_scoped3A : memref<!tpu.dma_semaphore, #tpu.memory_space<semaphore_mem>>)
      tpu.wait_dma2 semaphore(%run_scoped3A : memref<!tpu.dma_semaphore, #tpu.memory_space<semaphore_mem>>) src(%arg3 : memref<64xi32, #tpu.memory_space<hbm>>) dst(%arg6 : memref<64xi32, #tpu.memory_space<vmem>>)
      tpu.yield
    }) : () -> ()
    "tpu.region"() ({
      %run_scoped3A = tpu.sem_alloc : memref<!tpu.dma_semaphore, #tpu.memory_space<semaphore_mem>>
      tpu.enqueue_dma source(%arg4 : memref<64xf32, #tpu.memory_space<hbm>>) target(%arg7 : memref<64xf32, #tpu.memory_space<vmem>>) target_semaphore(%run_scoped3A : memref<!tpu.dma_semaphore, #tpu.memory_space<semaphore_mem>>)
      tpu.wait_dma2 semaphore(%run_scoped3A : memref<!tpu.dma_semaphore, #tpu.memory_space<semaphore_mem>>) src(%arg4 : memref<64xf32, #tpu.memory_space<hbm>>) dst(%arg7 : memref<64xf32, #tpu.memory_space<vmem>>)
      tpu.yield
    }) : () -> ()
    %get3A = arith.constant 0 : index
    %get3A_3 = tpu.vector_load %arg6[%get3A] {strides = array<i32>} : memref<64xi32, #tpu.memory_space<vmem>>, vector<16xi32>,
    %get3A_4 = vector.shape_cast %get3A_3 : vector<16xi32> to vector<16xi32>
    %shift_right_logical3A = arith.constant 7 : i32
    %shift_right_logical3A_5 = vector.broadcast %shift_right_logical3A : i32 to vector<16xi32>
    %shift_right_logical3A_6 = arith.shrui %get3A_4, %shift_right_logical3A_5 : vector<16xi32>
    %shift_left3A = arith.constant 10 : i32
    %shift_left3A_7 = vector.broadcast %shift_left3A : i32 to vector<16xi32>
    %shift_left3A_8 = arith.shli %shift_right_logical3A_6, %shift_left3A_7 : vector<16xi32>
    %and3A = arith.constant 127 : i32
    %and3A_9 = vector.broadcast %and3A : i32 to vector<16xi32>
    %and3A_10 = arith.andi %get3A_4, %and3A_9 : vector<16xi32>
    %add3A_11 = arith.addi %shift_left3A_8, %and3A_10 : vector<16xi32>
    %get3A_12 = arith.constant 16 : index
    %get3A_13 = tpu.vector_load %arg6[%get3A_12] {strides = array<i32>} : memref<64xi32, #tpu.memory_space<vmem>>, vector<16xi32>,
    %get3A_14 = vector.shape_cast %get3A_13 : vector<16xi32> to vector<16xi32>
    %shift_right_logical3A_15 = arith.constant 7 : i32
    %shift_right_logical3A_16 = vector.broadcast %shift_right_logical3A_15 : i32 to vector<16xi32>
    %shift_right_logical3A_17 = arith.shrui %get3A_14, %shift_right_logical3A_16 : vector<16xi32>
    %shift_left3A_18 = arith.constant 10 : i32
    %shift_left3A_19 = vector.broadcast %shift_left3A_18 : i32 to vector<16xi32>
    %shift_left3A_20 = arith.shli %shift_right_logical3A_17, %shift_left3A_19 : vector<16xi32>
    %and3A_21 = arith.constant 127 : i32
    %and3A_22 = vector.broadcast %and3A_21 : i32 to vector<16xi32>
    %and3A_23 = arith.andi %get3A_14, %and3A_22 : vector<16xi32>
    %add3A_24 = arith.addi %shift_left3A_20, %and3A_23 : vector<16xi32>
    %get3A_25 = arith.constant 32 : index
    %get3A_26 = tpu.vector_load %arg6[%get3A_25] {strides = array<i32>} : memref<64xi32, #tpu.memory_space<vmem>>, vector<16xi32>,
    %get3A_27 = vector.shape_cast %get3A_26 : vector<16xi32> to vector<16xi32>
    %shift_right_logical3A_28 = arith.constant 7 : i32
    %shift_right_logical3A_29 = vector.broadcast %shift_right_logical3A_28 : i32 to vector<16xi32>
    %shift_right_logical3A_30 = arith.shrui %get3A_27, %shift_right_logical3A_29 : vector<16xi32>
    %shift_left3A_31 = arith.constant 10 : i32
    %shift_left3A_32 = vector.broadcast %shift_left3A_31 : i32 to vector<16xi32>
    %shift_left3A_33 = arith.shli %shift_right_logical3A_30, %shift_left3A_32 : vector<16xi32>
    %and3A_34 = arith.constant 127 : i32
    %and3A_35 = vector.broadcast %and3A_34 : i32 to vector<16xi32>
    %and3A_36 = arith.andi %get3A_27, %and3A_35 : vector<16xi32>
    %add3A_37 = arith.addi %shift_left3A_33, %and3A_36 : vector<16xi32>
    %get3A_38 = arith.constant 48 : index
    %get3A_39 = tpu.vector_load %arg6[%get3A_38] {strides = array<i32>} : memref<64xi32, #tpu.memory_space<vmem>>, vector<16xi32>,
    %get3A_40 = vector.shape_cast %get3A_39 : vector<16xi32> to vector<16xi32>
    %shift_right_logical3A_41 = arith.constant 7 : i32
    %shift_right_logical3A_42 = vector.broadcast %shift_right_logical3A_41 : i32 to vector<16xi32>
    %shift_right_logical3A_43 = arith.shrui %get3A_40, %shift_right_logical3A_42 : vector<16xi32>
    %shift_left3A_44 = arith.constant 10 : i32
    %shift_left3A_45 = vector.broadcast %shift_left3A_44 : i32 to vector<16xi32>
    %shift_left3A_46 = arith.shli %shift_right_logical3A_43, %shift_left3A_45 : vector<16xi32>
    %and3A_47 = arith.constant 127 : i32
    %and3A_48 = vector.broadcast %and3A_47 : i32 to vector<16xi32>
    %and3A_49 = arith.andi %get3A_40, %and3A_48 : vector<16xi32>
    %add3A_50 = arith.addi %shift_left3A_46, %and3A_49 : vector<16xi32>
    %scan3A = arith.constant 0 : i32
    %scan3A_51 = arith.constant 0 : i32
    %scan3A_52 = arith.constant 32 : i32
    %scan3A_53 = arith.addi %scan3A_51, %scan3A_52 : i32
    %scan3A_54 = arith.constant 1 : i32
    %scan3A_55 = scf.for %scan3A_266 = %scan3A_51 to %scan3A_53 step %scan3A_54 iter_args(%scan3A_267 = %scan3A) -> (i32)  : i32 {
      %add3A_268 = arith.addi %mul3A_2, %scan3A_266 : i32
      %shift_right_logical3A_269 = arith.constant 3 : i32
      %shift_right_logical3A_270 = arith.shrui %add3A_268, %shift_right_logical3A_269 : i32
      %shift_left3A_271 = arith.constant 18 : i32
      %shift_left3A_272 = arith.shli %shift_right_logical3A_270, %shift_left3A_271 : i32
      %and3A_273 = arith.constant 7 : i32
      %and3A_274 = arith.andi %add3A_268, %and3A_273 : i32
      %shift_left3A_275 = arith.constant 7 : i32
      %shift_left3A_276 = arith.shli %and3A_274, %shift_left3A_275 : i32
      %add3A_277 = arith.addi %shift_left3A_272, %shift_left3A_276 : i32
      %add3A_278 = vector.broadcast %add3A_277 : i32 to vector<16xi32>
      %add3A_279 = arith.addi %add3A_278, %add3A_11 : vector<16xi32>
      %mul3A_280 = arith.constant 64 : i32
      %mul3A_281 = arith.muli %scan3A_266, %mul3A_280 : i32
      %add3A_282 = arith.constant 0 : i32
      %add3A_283 = arith.addi %mul3A_281, %add3A_282 : i32
      %swap3A = arith.index_cast %add3A_283 : i32 to index
      %swap3A_284 = tpu.vector_load %arg8[%swap3A] {strides = array<i32>} : memref<2048xi32, #tpu.memory_space<vmem>>, vector<16xi32>,
      %swap3A_285 = vector.shape_cast %swap3A_284 : vector<16xi32> to vector<16xi32>
      %swap3A_286 = vector.shape_cast %add3A_279 : vector<16xi32> to vector<16xi32>
      tpu.vector_store %arg8[%swap3A], %swap3A_286 {strides = array<i32>} : memref<2048xi32, #tpu.memory_space<vmem>>, vector<16xi32>,
      %add3A_287 = vector.broadcast %add3A_277 : i32 to vector<16xi32>
      %add3A_288 = arith.addi %add3A_287, %add3A_24 : vector<16xi32>
      %mul3A_289 = arith.constant 64 : i32
      %mul3A_290 = arith.muli %scan3A_266, %mul3A_289 : i32
      %add3A_291 = arith.constant 16 : i32
      %add3A_292 = arith.addi %mul3A_290, %add3A_291 : i32
      %swap3A_293 = arith.index_cast %add3A_292 : i32 to index
      %swap3A_294 = tpu.vector_load %arg8[%swap3A_293] {strides = array<i32>} : memref<2048xi32, #tpu.memory_space<vmem>>, vector<16xi32>,
      %swap3A_295 = vector.shape_cast %swap3A_294 : vector<16xi32> to vector<16xi32>
      %swap3A_296 = vector.shape_cast %add3A_288 : vector<16xi32> to vector<16xi32>
      tpu.vector_store %arg8[%swap3A_293], %swap3A_296 {strides = array<i32>} : memref<2048xi32, #tpu.memory_space<vmem>>, vector<16xi32>,
      %add3A_297 = vector.broadcast %add3A_277 : i32 to vector<16xi32>
      %add3A_298 = arith.addi %add3A_297, %add3A_37 : vector<16xi32>
      %mul3A_299 = arith.constant 64 : i32
      %mul3A_300 = arith.muli %scan3A_266, %mul3A_299 : i32
      %add3A_301 = arith.constant 32 : i32
      %add3A_302 = arith.addi %mul3A_300, %add3A_301 : i32
      %swap3A_303 = arith.index_cast %add3A_302 : i32 to index
      %swap3A_304 = tpu.vector_load %arg8[%swap3A_303] {strides = array<i32>} : memref<2048xi32, #tpu.memory_space<vmem>>, vector<16xi32>,
      %swap3A_305 = vector.shape_cast %swap3A_304 : vector<16xi32> to vector<16xi32>
      %swap3A_306 = vector.shape_cast %add3A_298 : vector<16xi32> to vector<16xi32>
      tpu.vector_store %arg8[%swap3A_303], %swap3A_306 {strides = array<i32>} : memref<2048xi32, #tpu.memory_space<vmem>>, vector<16xi32>,
      %add3A_307 = vector.broadcast %add3A_277 : i32 to vector<16xi32>
      %add3A_308 = arith.addi %add3A_307, %add3A_50 : vector<16xi32>
      %mul3A_309 = arith.constant 64 : i32
      %mul3A_310 = arith.muli %scan3A_266, %mul3A_309 : i32
      %add3A_311 = arith.constant 48 : i32
      %add3A_312 = arith.addi %mul3A_310, %add3A_311 : i32
      %swap3A_313 = arith.index_cast %add3A_312 : i32 to index
      %swap3A_314 = tpu.vector_load %arg8[%swap3A_313] {strides = array<i32>} : memref<2048xi32, #tpu.memory_space<vmem>>, vector<16xi32>,
      %swap3A_315 = vector.shape_cast %swap3A_314 : vector<16xi32> to vector<16xi32>
      %swap3A_316 = vector.shape_cast %add3A_308 : vector<16xi32> to vector<16xi32>
      tpu.vector_store %arg8[%swap3A_313], %swap3A_316 {strides = array<i32>} : memref<2048xi32, #tpu.memory_space<vmem>>, vector<16xi32>,
      %scan3A_317 = arith.constant 0 : i32
      scf.yield %scan3A_317 : i32
    }
    %scan3A_56 = arith.constant 32 : i32
    %dma_start3A = arith.constant 0 : i32
    %dma_start3A_57 = tpu.memref_slice %arg9[%dma_start3A] : memref<2048xf32, #tpu.memory_space<vmem>> -> memref<128xf32, #tpu.memory_space<vmem>>
    %dma_start3A_58 = arith.constant 0 : i32
    %dma_start3A_59 = tpu.memref_slice %arg8[%dma_start3A_58] : memref<2048xi32, #tpu.memory_space<vmem>> -> memref<128xi32, #tpu.memory_space<vmem>>
    %dma_start3A_60 = arith.constant 0 : i32
    %dma_start3A_61 = tpu.memref_slice %arg2[%dma_start3A_60] : memref<33554432xf32, #tpu.memory_space<hbm>> -> memref<33554432xf32, #tpu.memory_space<hbm>>
    tpu.enqueue_indirect_dma source(%dma_start3A_61 : memref<33554432xf32, #tpu.memory_space<hbm>>) target(%dma_start3A_57 : memref<128xf32, #tpu.memory_space<vmem>>) offsets(%dma_start3A_59 : memref<128xi32, #tpu.memory_space<vmem>>) semaphore(%arg11 : memref<!tpu.dma_semaphore, #tpu.memory_space<semaphore_mem>>)
    %dma_start3A_62 = arith.constant 128 : i32
    %dma_start3A_63 = tpu.memref_slice %arg9[%dma_start3A_62] : memref<2048xf32, #tpu.memory_space<vmem>> -> memref<128xf32, #tpu.memory_space<vmem>>
    %dma_start3A_64 = arith.constant 128 : i32
    %dma_start3A_65 = tpu.memref_slice %arg8[%dma_start3A_64] : memref<2048xi32, #tpu.memory_space<vmem>> -> memref<128xi32, #tpu.memory_space<vmem>>
    %dma_start3A_66 = arith.constant 0 : i32
    %dma_start3A_67 = tpu.memref_slice %arg2[%dma_start3A_66] : memref<33554432xf32, #tpu.memory_space<hbm>> -> memref<33554432xf32, #tpu.memory_space<hbm>>
    tpu.enqueue_indirect_dma source(%dma_start3A_67 : memref<33554432xf32, #tpu.memory_space<hbm>>) target(%dma_start3A_63 : memref<128xf32, #tpu.memory_space<vmem>>) offsets(%dma_start3A_65 : memref<128xi32, #tpu.memory_space<vmem>>) semaphore(%arg11 : memref<!tpu.dma_semaphore, #tpu.memory_space<semaphore_mem>>)
    %dma_start3A_68 = arith.constant 256 : i32
    %dma_start3A_69 = tpu.memref_slice %arg9[%dma_start3A_68] : memref<2048xf32, #tpu.memory_space<vmem>> -> memref<128xf32, #tpu.memory_space<vmem>>
    %dma_start3A_70 = arith.constant 256 : i32
    %dma_start3A_71 = tpu.memref_slice %arg8[%dma_start3A_70] : memref<2048xi32, #tpu.memory_space<vmem>> -> memref<128xi32, #tpu.memory_space<vmem>>
    %dma_start3A_72 = arith.constant 0 : i32
    %dma_start3A_73 = tpu.memref_slice %arg2[%dma_start3A_72] : memref<33554432xf32, #tpu.memory_space<hbm>> -> memref<33554432xf32, #tpu.memory_space<hbm>>
    tpu.enqueue_indirect_dma source(%dma_start3A_73 : memref<33554432xf32, #tpu.memory_space<hbm>>) target(%dma_start3A_69 : memref<128xf32, #tpu.memory_space<vmem>>) offsets(%dma_start3A_71 : memref<128xi32, #tpu.memory_space<vmem>>) semaphore(%arg11 : memref<!tpu.dma_semaphore, #tpu.memory_space<semaphore_mem>>)
    %dma_start3A_74 = arith.constant 384 : i32
    %dma_start3A_75 = tpu.memref_slice %arg9[%dma_start3A_74] : memref<2048xf32, #tpu.memory_space<vmem>> -> memref<128xf32, #tpu.memory_space<vmem>>
    %dma_start3A_76 = arith.constant 384 : i32
    %dma_start3A_77 = tpu.memref_slice %arg8[%dma_start3A_76] : memref<2048xi32, #tpu.memory_space<vmem>> -> memref<128xi32, #tpu.memory_space<vmem>>
    %dma_start3A_78 = arith.constant 0 : i32
    %dma_start3A_79 = tpu.memref_slice %arg2[%dma_start3A_78] : memref<33554432xf32, #tpu.memory_space<hbm>> -> memref<33554432xf32, #tpu.memory_space<hbm>>
    tpu.enqueue_indirect_dma source(%dma_start3A_79 : memref<33554432xf32, #tpu.memory_space<hbm>>) target(%dma_start3A_75 : memref<128xf32, #tpu.memory_space<vmem>>) offsets(%dma_start3A_77 : memref<128xi32, #tpu.memory_space<vmem>>) semaphore(%arg11 : memref<!tpu.dma_semaphore, #tpu.memory_space<semaphore_mem>>)
    %dma_start3A_80 = arith.constant 512 : i32
    %dma_start3A_81 = tpu.memref_slice %arg9[%dma_start3A_80] : memref<2048xf32, #tpu.memory_space<vmem>> -> memref<128xf32, #tpu.memory_space<vmem>>
    %dma_start3A_82 = arith.constant 512 : i32
    %dma_start3A_83 = tpu.memref_slice %arg8[%dma_start3A_82] : memref<2048xi32, #tpu.memory_space<vmem>> -> memref<128xi32, #tpu.memory_space<vmem>>
    %dma_start3A_84 = arith.constant 0 : i32
    %dma_start3A_85 = tpu.memref_slice %arg2[%dma_start3A_84] : memref<33554432xf32, #tpu.memory_space<hbm>> -> memref<33554432xf32, #tpu.memory_space<hbm>>
    tpu.enqueue_indirect_dma source(%dma_start3A_85 : memref<33554432xf32, #tpu.memory_space<hbm>>) target(%dma_start3A_81 : memref<128xf32, #tpu.memory_space<vmem>>) offsets(%dma_start3A_83 : memref<128xi32, #tpu.memory_space<vmem>>) semaphore(%arg11 : memref<!tpu.dma_semaphore, #tpu.memory_space<semaphore_mem>>)
    %dma_start3A_86 = arith.constant 640 : i32
    %dma_start3A_87 = tpu.memref_slice %arg9[%dma_start3A_86] : memref<2048xf32, #tpu.memory_space<vmem>> -> memref<128xf32, #tpu.memory_space<vmem>>
    %dma_start3A_88 = arith.constant 640 : i32
    %dma_start3A_89 = tpu.memref_slice %arg8[%dma_start3A_88] : memref<2048xi32, #tpu.memory_space<vmem>> -> memref<128xi32, #tpu.memory_space<vmem>>
    %dma_start3A_90 = arith.constant 0 : i32
    %dma_start3A_91 = tpu.memref_slice %arg2[%dma_start3A_90] : memref<33554432xf32, #tpu.memory_space<hbm>> -> memref<33554432xf32, #tpu.memory_space<hbm>>
    tpu.enqueue_indirect_dma source(%dma_start3A_91 : memref<33554432xf32, #tpu.memory_space<hbm>>) target(%dma_start3A_87 : memref<128xf32, #tpu.memory_space<vmem>>) offsets(%dma_start3A_89 : memref<128xi32, #tpu.memory_space<vmem>>) semaphore(%arg11 : memref<!tpu.dma_semaphore, #tpu.memory_space<semaphore_mem>>)
    %dma_start3A_92 = arith.constant 768 : i32
    %dma_start3A_93 = tpu.memref_slice %arg9[%dma_start3A_92] : memref<2048xf32, #tpu.memory_space<vmem>> -> memref<128xf32, #tpu.memory_space<vmem>>
    %dma_start3A_94 = arith.constant 768 : i32
    %dma_start3A_95 = tpu.memref_slice %arg8[%dma_start3A_94] : memref<2048xi32, #tpu.memory_space<vmem>> -> memref<128xi32, #tpu.memory_space<vmem>>
    %dma_start3A_96 = arith.constant 0 : i32
    %dma_start3A_97 = tpu.memref_slice %arg2[%dma_start3A_96] : memref<33554432xf32, #tpu.memory_space<hbm>> -> memref<33554432xf32, #tpu.memory_space<hbm>>
    tpu.enqueue_indirect_dma source(%dma_start3A_97 : memref<33554432xf32, #tpu.memory_space<hbm>>) target(%dma_start3A_93 : memref<128xf32, #tpu.memory_space<vmem>>) offsets(%dma_start3A_95 : memref<128xi32, #tpu.memory_space<vmem>>) semaphore(%arg11 : memref<!tpu.dma_semaphore, #tpu.memory_space<semaphore_mem>>)
    %dma_start3A_98 = arith.constant 896 : i32
    %dma_start3A_99 = tpu.memref_slice %arg9[%dma_start3A_98] : memref<2048xf32, #tpu.memory_space<vmem>> -> memref<128xf32, #tpu.memory_space<vmem>>
    %dma_start3A_100 = arith.constant 896 : i32
    %dma_start3A_101 = tpu.memref_slice %arg8[%dma_start3A_100] : memref<2048xi32, #tpu.memory_space<vmem>> -> memref<128xi32, #tpu.memory_space<vmem>>
    %dma_start3A_102 = arith.constant 0 : i32
    %dma_start3A_103 = tpu.memref_slice %arg2[%dma_start3A_102] : memref<33554432xf32, #tpu.memory_space<hbm>> -> memref<33554432xf32, #tpu.memory_space<hbm>>
    tpu.enqueue_indirect_dma source(%dma_start3A_103 : memref<33554432xf32, #tpu.memory_space<hbm>>) target(%dma_start3A_99 : memref<128xf32, #tpu.memory_space<vmem>>) offsets(%dma_start3A_101 : memref<128xi32, #tpu.memory_space<vmem>>) semaphore(%arg11 : memref<!tpu.dma_semaphore, #tpu.memory_space<semaphore_mem>>)
    %dma_start3A_104 = arith.constant 1024 : i32
    %dma_start3A_105 = tpu.memref_slice %arg9[%dma_start3A_104] : memref<2048xf32, #tpu.memory_space<vmem>> -> memref<128xf32, #tpu.memory_space<vmem>>
    %dma_start3A_106 = arith.constant 1024 : i32
    %dma_start3A_107 = tpu.memref_slice %arg8[%dma_start3A_106] : memref<2048xi32, #tpu.memory_space<vmem>> -> memref<128xi32, #tpu.memory_space<vmem>>
    %dma_start3A_108 = arith.constant 0 : i32
    %dma_start3A_109 = tpu.memref_slice %arg2[%dma_start3A_108] : memref<33554432xf32, #tpu.memory_space<hbm>> -> memref<33554432xf32, #tpu.memory_space<hbm>>
    tpu.enqueue_indirect_dma source(%dma_start3A_109 : memref<33554432xf32, #tpu.memory_space<hbm>>) target(%dma_start3A_105 : memref<128xf32, #tpu.memory_space<vmem>>) offsets(%dma_start3A_107 : memref<128xi32, #tpu.memory_space<vmem>>) semaphore(%arg11 : memref<!tpu.dma_semaphore, #tpu.memory_space<semaphore_mem>>)
    %dma_start3A_110 = arith.constant 1152 : i32
    %dma_start3A_111 = tpu.memref_slice %arg9[%dma_start3A_110] : memref<2048xf32, #tpu.memory_space<vmem>> -> memref<128xf32, #tpu.memory_space<vmem>>
    %dma_start3A_112 = arith.constant 1152 : i32
    %dma_start3A_113 = tpu.memref_slice %arg8[%dma_start3A_112] : memref<2048xi32, #tpu.memory_space<vmem>> -> memref<128xi32, #tpu.memory_space<vmem>>
    %dma_start3A_114 = arith.constant 0 : i32
    %dma_start3A_115 = tpu.memref_slice %arg2[%dma_start3A_114] : memref<33554432xf32, #tpu.memory_space<hbm>> -> memref<33554432xf32, #tpu.memory_space<hbm>>
    tpu.enqueue_indirect_dma source(%dma_start3A_115 : memref<33554432xf32, #tpu.memory_space<hbm>>) target(%dma_start3A_111 : memref<128xf32, #tpu.memory_space<vmem>>) offsets(%dma_start3A_113 : memref<128xi32, #tpu.memory_space<vmem>>) semaphore(%arg11 : memref<!tpu.dma_semaphore, #tpu.memory_space<semaphore_mem>>)
    %dma_start3A_116 = arith.constant 1280 : i32
    %dma_start3A_117 = tpu.memref_slice %arg9[%dma_start3A_116] : memref<2048xf32, #tpu.memory_space<vmem>> -> memref<128xf32, #tpu.memory_space<vmem>>
    %dma_start3A_118 = arith.constant 1280 : i32
    %dma_start3A_119 = tpu.memref_slice %arg8[%dma_start3A_118] : memref<2048xi32, #tpu.memory_space<vmem>> -> memref<128xi32, #tpu.memory_space<vmem>>
    %dma_start3A_120 = arith.constant 0 : i32
    %dma_start3A_121 = tpu.memref_slice %arg2[%dma_start3A_120] : memref<33554432xf32, #tpu.memory_space<hbm>> -> memref<33554432xf32, #tpu.memory_space<hbm>>
    tpu.enqueue_indirect_dma source(%dma_start3A_121 : memref<33554432xf32, #tpu.memory_space<hbm>>) target(%dma_start3A_117 : memref<128xf32, #tpu.memory_space<vmem>>) offsets(%dma_start3A_119 : memref<128xi32, #tpu.memory_space<vmem>>) semaphore(%arg11 : memref<!tpu.dma_semaphore, #tpu.memory_space<semaphore_mem>>)
    %dma_start3A_122 = arith.constant 1408 : i32
    %dma_start3A_123 = tpu.memref_slice %arg9[%dma_start3A_122] : memref<2048xf32, #tpu.memory_space<vmem>> -> memref<128xf32, #tpu.memory_space<vmem>>
    %dma_start3A_124 = arith.constant 1408 : i32
    %dma_start3A_125 = tpu.memref_slice %arg8[%dma_start3A_124] : memref<2048xi32, #tpu.memory_space<vmem>> -> memref<128xi32, #tpu.memory_space<vmem>>
    %dma_start3A_126 = arith.constant 0 : i32
    %dma_start3A_127 = tpu.memref_slice %arg2[%dma_start3A_126] : memref<33554432xf32, #tpu.memory_space<hbm>> -> memref<33554432xf32, #tpu.memory_space<hbm>>
    tpu.enqueue_indirect_dma source(%dma_start3A_127 : memref<33554432xf32, #tpu.memory_space<hbm>>) target(%dma_start3A_123 : memref<128xf32, #tpu.memory_space<vmem>>) offsets(%dma_start3A_125 : memref<128xi32, #tpu.memory_space<vmem>>) semaphore(%arg11 : memref<!tpu.dma_semaphore, #tpu.memory_space<semaphore_mem>>)
    %dma_start3A_128 = arith.constant 1536 : i32
    %dma_start3A_129 = tpu.memref_slice %arg9[%dma_start3A_128] : memref<2048xf32, #tpu.memory_space<vmem>> -> memref<128xf32, #tpu.memory_space<vmem>>
    %dma_start3A_130 = arith.constant 1536 : i32
    %dma_start3A_131 = tpu.memref_slice %arg8[%dma_start3A_130] : memref<2048xi32, #tpu.memory_space<vmem>> -> memref<128xi32, #tpu.memory_space<vmem>>
    %dma_start3A_132 = arith.constant 0 : i32
    %dma_start3A_133 = tpu.memref_slice %arg2[%dma_start3A_132] : memref<33554432xf32, #tpu.memory_space<hbm>> -> memref<33554432xf32, #tpu.memory_space<hbm>>
    tpu.enqueue_indirect_dma source(%dma_start3A_133 : memref<33554432xf32, #tpu.memory_space<hbm>>) target(%dma_start3A_129 : memref<128xf32, #tpu.memory_space<vmem>>) offsets(%dma_start3A_131 : memref<128xi32, #tpu.memory_space<vmem>>) semaphore(%arg11 : memref<!tpu.dma_semaphore, #tpu.memory_space<semaphore_mem>>)
    %dma_start3A_134 = arith.constant 1664 : i32
    %dma_start3A_135 = tpu.memref_slice %arg9[%dma_start3A_134] : memref<2048xf32, #tpu.memory_space<vmem>> -> memref<128xf32, #tpu.memory_space<vmem>>
    %dma_start3A_136 = arith.constant 1664 : i32
    %dma_start3A_137 = tpu.memref_slice %arg8[%dma_start3A_136] : memref<2048xi32, #tpu.memory_space<vmem>> -> memref<128xi32, #tpu.memory_space<vmem>>
    %dma_start3A_138 = arith.constant 0 : i32
    %dma_start3A_139 = tpu.memref_slice %arg2[%dma_start3A_138] : memref<33554432xf32, #tpu.memory_space<hbm>> -> memref<33554432xf32, #tpu.memory_space<hbm>>
    tpu.enqueue_indirect_dma source(%dma_start3A_139 : memref<33554432xf32, #tpu.memory_space<hbm>>) target(%dma_start3A_135 : memref<128xf32, #tpu.memory_space<vmem>>) offsets(%dma_start3A_137 : memref<128xi32, #tpu.memory_space<vmem>>) semaphore(%arg11 : memref<!tpu.dma_semaphore, #tpu.memory_space<semaphore_mem>>)
    %dma_start3A_140 = arith.constant 1792 : i32
    %dma_start3A_141 = tpu.memref_slice %arg9[%dma_start3A_140] : memref<2048xf32, #tpu.memory_space<vmem>> -> memref<128xf32, #tpu.memory_space<vmem>>
    %dma_start3A_142 = arith.constant 1792 : i32
    %dma_start3A_143 = tpu.memref_slice %arg8[%dma_start3A_142] : memref<2048xi32, #tpu.memory_space<vmem>> -> memref<128xi32, #tpu.memory_space<vmem>>
    %dma_start3A_144 = arith.constant 0 : i32
    %dma_start3A_145 = tpu.memref_slice %arg2[%dma_start3A_144] : memref<33554432xf32, #tpu.memory_space<hbm>> -> memref<33554432xf32, #tpu.memory_space<hbm>>
    tpu.enqueue_indirect_dma source(%dma_start3A_145 : memref<33554432xf32, #tpu.memory_space<hbm>>) target(%dma_start3A_141 : memref<128xf32, #tpu.memory_space<vmem>>) offsets(%dma_start3A_143 : memref<128xi32, #tpu.memory_space<vmem>>) semaphore(%arg11 : memref<!tpu.dma_semaphore, #tpu.memory_space<semaphore_mem>>)
    %dma_start3A_146 = arith.constant 1920 : i32
    %dma_start3A_147 = tpu.memref_slice %arg9[%dma_start3A_146] : memref<2048xf32, #tpu.memory_space<vmem>> -> memref<128xf32, #tpu.memory_space<vmem>>
    %dma_start3A_148 = arith.constant 1920 : i32
    %dma_start3A_149 = tpu.memref_slice %arg8[%dma_start3A_148] : memref<2048xi32, #tpu.memory_space<vmem>> -> memref<128xi32, #tpu.memory_space<vmem>>
    %dma_start3A_150 = arith.constant 0 : i32
    %dma_start3A_151 = tpu.memref_slice %arg2[%dma_start3A_150] : memref<33554432xf32, #tpu.memory_space<hbm>> -> memref<33554432xf32, #tpu.memory_space<hbm>>
    tpu.enqueue_indirect_dma source(%dma_start3A_151 : memref<33554432xf32, #tpu.memory_space<hbm>>) target(%dma_start3A_147 : memref<128xf32, #tpu.memory_space<vmem>>) offsets(%dma_start3A_149 : memref<128xi32, #tpu.memory_space<vmem>>) semaphore(%arg11 : memref<!tpu.dma_semaphore, #tpu.memory_space<semaphore_mem>>)
    %dma_wait3A = arith.constant 0 : i32
    %dma_wait3A_152 = tpu.memref_slice %arg9[%dma_wait3A] : memref<2048xf32, #tpu.memory_space<vmem>> -> memref<128xf32, #tpu.memory_space<vmem>>
    %dma_wait3A_153 = arith.constant 0 : i32
    %dma_wait3A_154 = tpu.memref_slice %arg8[%dma_wait3A_153] : memref<2048xi32, #tpu.memory_space<vmem>> -> memref<128xi32, #tpu.memory_space<vmem>>
    %dma_wait3A_155 = arith.constant 0 : i32
    %dma_wait3A_156 = tpu.memref_slice %arg2[%dma_wait3A_155] : memref<33554432xf32, #tpu.memory_space<hbm>> -> memref<33554432xf32, #tpu.memory_space<hbm>>
    tpu.wait_indirect_dma semaphore(%arg11 : memref<!tpu.dma_semaphore, #tpu.memory_space<semaphore_mem>>) src(%dma_wait3A_156 : memref<33554432xf32, #tpu.memory_space<hbm>>) dst(%dma_wait3A_152 : memref<128xf32, #tpu.memory_space<vmem>>)
    %dma_wait3A_157 = arith.constant 128 : i32
    %dma_wait3A_158 = tpu.memref_slice %arg9[%dma_wait3A_157] : memref<2048xf32, #tpu.memory_space<vmem>> -> memref<128xf32, #tpu.memory_space<vmem>>
    %dma_wait3A_159 = arith.constant 128 : i32
    %dma_wait3A_160 = tpu.memref_slice %arg8[%dma_wait3A_159] : memref<2048xi32, #tpu.memory_space<vmem>> -> memref<128xi32, #tpu.memory_space<vmem>>
    %dma_wait3A_161 = arith.constant 0 : i32
    %dma_wait3A_162 = tpu.memref_slice %arg2[%dma_wait3A_161] : memref<33554432xf32, #tpu.memory_space<hbm>> -> memref<33554432xf32, #tpu.memory_space<hbm>>
    tpu.wait_indirect_dma semaphore(%arg11 : memref<!tpu.dma_semaphore, #tpu.memory_space<semaphore_mem>>) src(%dma_wait3A_162 : memref<33554432xf32, #tpu.memory_space<hbm>>) dst(%dma_wait3A_158 : memref<128xf32, #tpu.memory_space<vmem>>)
    %dma_wait3A_163 = arith.constant 256 : i32
    %dma_wait3A_164 = tpu.memref_slice %arg9[%dma_wait3A_163] : memref<2048xf32, #tpu.memory_space<vmem>> -> memref<128xf32, #tpu.memory_space<vmem>>
    %dma_wait3A_165 = arith.constant 256 : i32
    %dma_wait3A_166 = tpu.memref_slice %arg8[%dma_wait3A_165] : memref<2048xi32, #tpu.memory_space<vmem>> -> memref<128xi32, #tpu.memory_space<vmem>>
    %dma_wait3A_167 = arith.constant 0 : i32
    %dma_wait3A_168 = tpu.memref_slice %arg2[%dma_wait3A_167] : memref<33554432xf32, #tpu.memory_space<hbm>> -> memref<33554432xf32, #tpu.memory_space<hbm>>
    tpu.wait_indirect_dma semaphore(%arg11 : memref<!tpu.dma_semaphore, #tpu.memory_space<semaphore_mem>>) src(%dma_wait3A_168 : memref<33554432xf32, #tpu.memory_space<hbm>>) dst(%dma_wait3A_164 : memref<128xf32, #tpu.memory_space<vmem>>)
    %dma_wait3A_169 = arith.constant 384 : i32
    %dma_wait3A_170 = tpu.memref_slice %arg9[%dma_wait3A_169] : memref<2048xf32, #tpu.memory_space<vmem>> -> memref<128xf32, #tpu.memory_space<vmem>>
    %dma_wait3A_171 = arith.constant 384 : i32
    %dma_wait3A_172 = tpu.memref_slice %arg8[%dma_wait3A_171] : memref<2048xi32, #tpu.memory_space<vmem>> -> memref<128xi32, #tpu.memory_space<vmem>>
    %dma_wait3A_173 = arith.constant 0 : i32
    %dma_wait3A_174 = tpu.memref_slice %arg2[%dma_wait3A_173] : memref<33554432xf32, #tpu.memory_space<hbm>> -> memref<33554432xf32, #tpu.memory_space<hbm>>
    tpu.wait_indirect_dma semaphore(%arg11 : memref<!tpu.dma_semaphore, #tpu.memory_space<semaphore_mem>>) src(%dma_wait3A_174 : memref<33554432xf32, #tpu.memory_space<hbm>>) dst(%dma_wait3A_170 : memref<128xf32, #tpu.memory_space<vmem>>)
    %dma_wait3A_175 = arith.constant 512 : i32
    %dma_wait3A_176 = tpu.memref_slice %arg9[%dma_wait3A_175] : memref<2048xf32, #tpu.memory_space<vmem>> -> memref<128xf32, #tpu.memory_space<vmem>>
    %dma_wait3A_177 = arith.constant 512 : i32
    %dma_wait3A_178 = tpu.memref_slice %arg8[%dma_wait3A_177] : memref<2048xi32, #tpu.memory_space<vmem>> -> memref<128xi32, #tpu.memory_space<vmem>>
    %dma_wait3A_179 = arith.constant 0 : i32
    %dma_wait3A_180 = tpu.memref_slice %arg2[%dma_wait3A_179] : memref<33554432xf32, #tpu.memory_space<hbm>> -> memref<33554432xf32, #tpu.memory_space<hbm>>
    tpu.wait_indirect_dma semaphore(%arg11 : memref<!tpu.dma_semaphore, #tpu.memory_space<semaphore_mem>>) src(%dma_wait3A_180 : memref<33554432xf32, #tpu.memory_space<hbm>>) dst(%dma_wait3A_176 : memref<128xf32, #tpu.memory_space<vmem>>)
    %dma_wait3A_181 = arith.constant 640 : i32
    %dma_wait3A_182 = tpu.memref_slice %arg9[%dma_wait3A_181] : memref<2048xf32, #tpu.memory_space<vmem>> -> memref<128xf32, #tpu.memory_space<vmem>>
    %dma_wait3A_183 = arith.constant 640 : i32
    %dma_wait3A_184 = tpu.memref_slice %arg8[%dma_wait3A_183] : memref<2048xi32, #tpu.memory_space<vmem>> -> memref<128xi32, #tpu.memory_space<vmem>>
    %dma_wait3A_185 = arith.constant 0 : i32
    %dma_wait3A_186 = tpu.memref_slice %arg2[%dma_wait3A_185] : memref<33554432xf32, #tpu.memory_space<hbm>> -> memref<33554432xf32, #tpu.memory_space<hbm>>
    tpu.wait_indirect_dma semaphore(%arg11 : memref<!tpu.dma_semaphore, #tpu.memory_space<semaphore_mem>>) src(%dma_wait3A_186 : memref<33554432xf32, #tpu.memory_space<hbm>>) dst(%dma_wait3A_182 : memref<128xf32, #tpu.memory_space<vmem>>)
    %dma_wait3A_187 = arith.constant 768 : i32
    %dma_wait3A_188 = tpu.memref_slice %arg9[%dma_wait3A_187] : memref<2048xf32, #tpu.memory_space<vmem>> -> memref<128xf32, #tpu.memory_space<vmem>>
    %dma_wait3A_189 = arith.constant 768 : i32
    %dma_wait3A_190 = tpu.memref_slice %arg8[%dma_wait3A_189] : memref<2048xi32, #tpu.memory_space<vmem>> -> memref<128xi32, #tpu.memory_space<vmem>>
    %dma_wait3A_191 = arith.constant 0 : i32
    %dma_wait3A_192 = tpu.memref_slice %arg2[%dma_wait3A_191] : memref<33554432xf32, #tpu.memory_space<hbm>> -> memref<33554432xf32, #tpu.memory_space<hbm>>
    tpu.wait_indirect_dma semaphore(%arg11 : memref<!tpu.dma_semaphore, #tpu.memory_space<semaphore_mem>>) src(%dma_wait3A_192 : memref<33554432xf32, #tpu.memory_space<hbm>>) dst(%dma_wait3A_188 : memref<128xf32, #tpu.memory_space<vmem>>)
    %dma_wait3A_193 = arith.constant 896 : i32
    %dma_wait3A_194 = tpu.memref_slice %arg9[%dma_wait3A_193] : memref<2048xf32, #tpu.memory_space<vmem>> -> memref<128xf32, #tpu.memory_space<vmem>>
    %dma_wait3A_195 = arith.constant 896 : i32
    %dma_wait3A_196 = tpu.memref_slice %arg8[%dma_wait3A_195] : memref<2048xi32, #tpu.memory_space<vmem>> -> memref<128xi32, #tpu.memory_space<vmem>>
    %dma_wait3A_197 = arith.constant 0 : i32
    %dma_wait3A_198 = tpu.memref_slice %arg2[%dma_wait3A_197] : memref<33554432xf32, #tpu.memory_space<hbm>> -> memref<33554432xf32, #tpu.memory_space<hbm>>
    tpu.wait_indirect_dma semaphore(%arg11 : memref<!tpu.dma_semaphore, #tpu.memory_space<semaphore_mem>>) src(%dma_wait3A_198 : memref<33554432xf32, #tpu.memory_space<hbm>>) dst(%dma_wait3A_194 : memref<128xf32, #tpu.memory_space<vmem>>)
    %dma_wait3A_199 = arith.constant 1024 : i32
    %dma_wait3A_200 = tpu.memref_slice %arg9[%dma_wait3A_199] : memref<2048xf32, #tpu.memory_space<vmem>> -> memref<128xf32, #tpu.memory_space<vmem>>
    %dma_wait3A_201 = arith.constant 1024 : i32
    %dma_wait3A_202 = tpu.memref_slice %arg8[%dma_wait3A_201] : memref<2048xi32, #tpu.memory_space<vmem>> -> memref<128xi32, #tpu.memory_space<vmem>>
    %dma_wait3A_203 = arith.constant 0 : i32
    %dma_wait3A_204 = tpu.memref_slice %arg2[%dma_wait3A_203] : memref<33554432xf32, #tpu.memory_space<hbm>> -> memref<33554432xf32, #tpu.memory_space<hbm>>
    tpu.wait_indirect_dma semaphore(%arg11 : memref<!tpu.dma_semaphore, #tpu.memory_space<semaphore_mem>>) src(%dma_wait3A_204 : memref<33554432xf32, #tpu.memory_space<hbm>>) dst(%dma_wait3A_200 : memref<128xf32, #tpu.memory_space<vmem>>)
    %dma_wait3A_205 = arith.constant 1152 : i32
    %dma_wait3A_206 = tpu.memref_slice %arg9[%dma_wait3A_205] : memref<2048xf32, #tpu.memory_space<vmem>> -> memref<128xf32, #tpu.memory_space<vmem>>
    %dma_wait3A_207 = arith.constant 1152 : i32
    %dma_wait3A_208 = tpu.memref_slice %arg8[%dma_wait3A_207] : memref<2048xi32, #tpu.memory_space<vmem>> -> memref<128xi32, #tpu.memory_space<vmem>>
    %dma_wait3A_209 = arith.constant 0 : i32
    %dma_wait3A_210 = tpu.memref_slice %arg2[%dma_wait3A_209] : memref<33554432xf32, #tpu.memory_space<hbm>> -> memref<33554432xf32, #tpu.memory_space<hbm>>
    tpu.wait_indirect_dma semaphore(%arg11 : memref<!tpu.dma_semaphore, #tpu.memory_space<semaphore_mem>>) src(%dma_wait3A_210 : memref<33554432xf32, #tpu.memory_space<hbm>>) dst(%dma_wait3A_206 : memref<128xf32, #tpu.memory_space<vmem>>)
    %dma_wait3A_211 = arith.constant 1280 : i32
    %dma_wait3A_212 = tpu.memref_slice %arg9[%dma_wait3A_211] : memref<2048xf32, #tpu.memory_space<vmem>> -> memref<128xf32, #tpu.memory_space<vmem>>
    %dma_wait3A_213 = arith.constant 1280 : i32
    %dma_wait3A_214 = tpu.memref_slice %arg8[%dma_wait3A_213] : memref<2048xi32, #tpu.memory_space<vmem>> -> memref<128xi32, #tpu.memory_space<vmem>>
    %dma_wait3A_215 = arith.constant 0 : i32
    %dma_wait3A_216 = tpu.memref_slice %arg2[%dma_wait3A_215] : memref<33554432xf32, #tpu.memory_space<hbm>> -> memref<33554432xf32, #tpu.memory_space<hbm>>
    tpu.wait_indirect_dma semaphore(%arg11 : memref<!tpu.dma_semaphore, #tpu.memory_space<semaphore_mem>>) src(%dma_wait3A_216 : memref<33554432xf32, #tpu.memory_space<hbm>>) dst(%dma_wait3A_212 : memref<128xf32, #tpu.memory_space<vmem>>)
    %dma_wait3A_217 = arith.constant 1408 : i32
    %dma_wait3A_218 = tpu.memref_slice %arg9[%dma_wait3A_217] : memref<2048xf32, #tpu.memory_space<vmem>> -> memref<128xf32, #tpu.memory_space<vmem>>
    %dma_wait3A_219 = arith.constant 1408 : i32
    %dma_wait3A_220 = tpu.memref_slice %arg8[%dma_wait3A_219] : memref<2048xi32, #tpu.memory_space<vmem>> -> memref<128xi32, #tpu.memory_space<vmem>>
    %dma_wait3A_221 = arith.constant 0 : i32
    %dma_wait3A_222 = tpu.memref_slice %arg2[%dma_wait3A_221] : memref<33554432xf32, #tpu.memory_space<hbm>> -> memref<33554432xf32, #tpu.memory_space<hbm>>
    tpu.wait_indirect_dma semaphore(%arg11 : memref<!tpu.dma_semaphore, #tpu.memory_space<semaphore_mem>>) src(%dma_wait3A_222 : memref<33554432xf32, #tpu.memory_space<hbm>>) dst(%dma_wait3A_218 : memref<128xf32, #tpu.memory_space<vmem>>)
    %dma_wait3A_223 = arith.constant 1536 : i32
    %dma_wait3A_224 = tpu.memref_slice %arg9[%dma_wait3A_223] : memref<2048xf32, #tpu.memory_space<vmem>> -> memref<128xf32, #tpu.memory_space<vmem>>
    %dma_wait3A_225 = arith.constant 1536 : i32
    %dma_wait3A_226 = tpu.memref_slice %arg8[%dma_wait3A_225] : memref<2048xi32, #tpu.memory_space<vmem>> -> memref<128xi32, #tpu.memory_space<vmem>>
    %dma_wait3A_227 = arith.constant 0 : i32
    %dma_wait3A_228 = tpu.memref_slice %arg2[%dma_wait3A_227] : memref<33554432xf32, #tpu.memory_space<hbm>> -> memref<33554432xf32, #tpu.memory_space<hbm>>
    tpu.wait_indirect_dma semaphore(%arg11 : memref<!tpu.dma_semaphore, #tpu.memory_space<semaphore_mem>>) src(%dma_wait3A_228 : memref<33554432xf32, #tpu.memory_space<hbm>>) dst(%dma_wait3A_224 : memref<128xf32, #tpu.memory_space<vmem>>)
    %dma_wait3A_229 = arith.constant 1664 : i32
    %dma_wait3A_230 = tpu.memref_slice %arg9[%dma_wait3A_229] : memref<2048xf32, #tpu.memory_space<vmem>> -> memref<128xf32, #tpu.memory_space<vmem>>
    %dma_wait3A_231 = arith.constant 1664 : i32
    %dma_wait3A_232 = tpu.memref_slice %arg8[%dma_wait3A_231] : memref<2048xi32, #tpu.memory_space<vmem>> -> memref<128xi32, #tpu.memory_space<vmem>>
    %dma_wait3A_233 = arith.constant 0 : i32
    %dma_wait3A_234 = tpu.memref_slice %arg2[%dma_wait3A_233] : memref<33554432xf32, #tpu.memory_space<hbm>> -> memref<33554432xf32, #tpu.memory_space<hbm>>
    tpu.wait_indirect_dma semaphore(%arg11 : memref<!tpu.dma_semaphore, #tpu.memory_space<semaphore_mem>>) src(%dma_wait3A_234 : memref<33554432xf32, #tpu.memory_space<hbm>>) dst(%dma_wait3A_230 : memref<128xf32, #tpu.memory_space<vmem>>)
    %dma_wait3A_235 = arith.constant 1792 : i32
    %dma_wait3A_236 = tpu.memref_slice %arg9[%dma_wait3A_235] : memref<2048xf32, #tpu.memory_space<vmem>> -> memref<128xf32, #tpu.memory_space<vmem>>
    %dma_wait3A_237 = arith.constant 1792 : i32
    %dma_wait3A_238 = tpu.memref_slice %arg8[%dma_wait3A_237] : memref<2048xi32, #tpu.memory_space<vmem>> -> memref<128xi32, #tpu.memory_space<vmem>>
    %dma_wait3A_239 = arith.constant 0 : i32
    %dma_wait3A_240 = tpu.memref_slice %arg2[%dma_wait3A_239] : memref<33554432xf32, #tpu.memory_space<hbm>> -> memref<33554432xf32, #tpu.memory_space<hbm>>
    tpu.wait_indirect_dma semaphore(%arg11 : memref<!tpu.dma_semaphore, #tpu.memory_space<semaphore_mem>>) src(%dma_wait3A_240 : memref<33554432xf32, #tpu.memory_space<hbm>>) dst(%dma_wait3A_236 : memref<128xf32, #tpu.memory_space<vmem>>)
    %dma_wait3A_241 = arith.constant 1920 : i32
    %dma_wait3A_242 = tpu.memref_slice %arg9[%dma_wait3A_241] : memref<2048xf32, #tpu.memory_space<vmem>> -> memref<128xf32, #tpu.memory_space<vmem>>
    %dma_wait3A_243 = arith.constant 1920 : i32
    %dma_wait3A_244 = tpu.memref_slice %arg8[%dma_wait3A_243] : memref<2048xi32, #tpu.memory_space<vmem>> -> memref<128xi32, #tpu.memory_space<vmem>>
    %dma_wait3A_245 = arith.constant 0 : i32
    %dma_wait3A_246 = tpu.memref_slice %arg2[%dma_wait3A_245] : memref<33554432xf32, #tpu.memory_space<hbm>> -> memref<33554432xf32, #tpu.memory_space<hbm>>
    tpu.wait_indirect_dma semaphore(%arg11 : memref<!tpu.dma_semaphore, #tpu.memory_space<semaphore_mem>>) src(%dma_wait3A_246 : memref<33554432xf32, #tpu.memory_space<hbm>>) dst(%dma_wait3A_242 : memref<128xf32, #tpu.memory_space<vmem>>)
    %get3A_247 = arith.constant 0 : index
    %get3A_248 = tpu.vector_load %arg7[%get3A_247] {strides = array<i32>} : memref<64xf32, #tpu.memory_space<vmem>>, vector<16xf32>,
    %get3A_249 = vector.shape_cast %get3A_248 : vector<16xf32> to vector<16xf32>
    %get3A_250 = arith.constant 16 : index
    %get3A_251 = tpu.vector_load %arg7[%get3A_250] {strides = array<i32>} : memref<64xf32, #tpu.memory_space<vmem>>, vector<16xf32>,
    %get3A_252 = vector.shape_cast %get3A_251 : vector<16xf32> to vector<16xf32>
    %get3A_253 = arith.constant 32 : index
    %get3A_254 = tpu.vector_load %arg7[%get3A_253] {strides = array<i32>} : memref<64xf32, #tpu.memory_space<vmem>>, vector<16xf32>,
    %get3A_255 = vector.shape_cast %get3A_254 : vector<16xf32> to vector<16xf32>
    %get3A_256 = arith.constant 48 : index
    %get3A_257 = tpu.vector_load %arg7[%get3A_256] {strides = array<i32>} : memref<64xf32, #tpu.memory_space<vmem>>, vector<16xf32>,
    %get3A_258 = vector.shape_cast %get3A_257 : vector<16xf32> to vector<16xf32>
    %scan3A_259 = arith.constant 0 : i32
    %scan3A_260 = arith.constant 0 : i32
    %scan3A_261 = arith.constant 32 : i32
    %scan3A_262 = arith.addi %scan3A_260, %scan3A_261 : i32
    %scan3A_263 = arith.constant 1 : i32
    %scan3A_264 = scf.for %scan3A_266 = %scan3A_260 to %scan3A_262 step %scan3A_263 iter_args(%scan3A_267 = %scan3A_259) -> (i32)  : i32 {
      %broadcast_in_dim3A = arith.constant 0.000000e+00 : f32
      %broadcast_in_dim3A_268 = vector.broadcast %broadcast_in_dim3A : f32 to vector<16xf32>
      %mul3A_269 = arith.constant 64 : i32
      %mul3A_270 = arith.muli %scan3A_266, %mul3A_269 : i32
      %add3A_271 = arith.constant 0 : i32
      %add3A_272 = arith.addi %mul3A_270, %add3A_271 : i32
      %get3A_273 = arith.index_cast %add3A_272 : i32 to index
      %get3A_274 = tpu.vector_load %arg9[%get3A_273] {strides = array<i32>} : memref<2048xf32, #tpu.memory_space<vmem>>, vector<16xf32>,
      %get3A_275 = vector.shape_cast %get3A_274 : vector<16xf32> to vector<16xf32>
      %mul3A_276 = arith.mulf %get3A_275, %get3A_249 : vector<16xf32>
      %add3A_277 = arith.addf %broadcast_in_dim3A_268, %mul3A_276 : vector<16xf32>
      %mul3A_278 = arith.constant 64 : i32
      %mul3A_279 = arith.muli %scan3A_266, %mul3A_278 : i32
      %add3A_280 = arith.constant 16 : i32
      %add3A_281 = arith.addi %mul3A_279, %add3A_280 : i32
      %get3A_282 = arith.index_cast %add3A_281 : i32 to index
      %get3A_283 = tpu.vector_load %arg9[%get3A_282] {strides = array<i32>} : memref<2048xf32, #tpu.memory_space<vmem>>, vector<16xf32>,
      %get3A_284 = vector.shape_cast %get3A_283 : vector<16xf32> to vector<16xf32>
      %mul3A_285 = arith.mulf %get3A_284, %get3A_252 : vector<16xf32>
      %add3A_286 = arith.addf %add3A_277, %mul3A_285 : vector<16xf32>
      %mul3A_287 = arith.constant 64 : i32
      %mul3A_288 = arith.muli %scan3A_266, %mul3A_287 : i32
      %add3A_289 = arith.constant 32 : i32
      %add3A_290 = arith.addi %mul3A_288, %add3A_289 : i32
      %get3A_291 = arith.index_cast %add3A_290 : i32 to index
      %get3A_292 = tpu.vector_load %arg9[%get3A_291] {strides = array<i32>} : memref<2048xf32, #tpu.memory_space<vmem>>, vector<16xf32>,
      %get3A_293 = vector.shape_cast %get3A_292 : vector<16xf32> to vector<16xf32>
      %mul3A_294 = arith.mulf %get3A_293, %get3A_255 : vector<16xf32>
      %add3A_295 = arith.addf %add3A_286, %mul3A_294 : vector<16xf32>
      %mul3A_296 = arith.constant 64 : i32
      %mul3A_297 = arith.muli %scan3A_266, %mul3A_296 : i32
      %add3A_298 = arith.constant 48 : i32
      %add3A_299 = arith.addi %mul3A_297, %add3A_298 : i32
      %get3A_300 = arith.index_cast %add3A_299 : i32 to index
      %get3A_301 = tpu.vector_load %arg9[%get3A_300] {strides = array<i32>} : memref<2048xf32, #tpu.memory_space<vmem>>, vector<16xf32>,
      %get3A_302 = vector.shape_cast %get3A_301 : vector<16xf32> to vector<16xf32>
      %mul3A_303 = arith.mulf %get3A_302, %get3A_258 : vector<16xf32>
      %add3A_304 = arith.addf %add3A_295, %mul3A_303 : vector<16xf32>
      %swap3A = arith.index_cast %scan3A_266 : i32 to index
      %swap3A_305 = arith.constant 0 : index
      %swap3A_306 = tpu.vector_load %arg10[%swap3A, %swap3A_305] {strides = array<i32>} : memref<32x16xf32, #tpu.memory_space<vmem>>, vector<1x16xf32>,
      %swap3A_307 = vector.shape_cast %swap3A_306 : vector<1x16xf32> to vector<16xf32>
      %swap3A_308 = vector.shape_cast %add3A_304 : vector<16xf32> to vector<1x16xf32>
      tpu.vector_store %arg10[%swap3A, %swap3A_305], %swap3A_308 {strides = array<i32>} : memref<32x16xf32, #tpu.memory_space<vmem>>, vector<1x16xf32>,
      %scan3A_309 = arith.constant 0 : i32
      scf.yield %scan3A_309 : i32
    }
    %scan3A_265 = arith.constant 32 : i32
    "tpu.region"() ({
      %run_scoped3A = tpu.sem_alloc : memref<!tpu.dma_semaphore, #tpu.memory_space<semaphore_mem>>
      %dma_start3A_266 = arith.constant 0 : i32
      %dma_start3A_267 = tpu.memref_slice %arg5[%mul3A_2, %dma_start3A_266] : memref<1024x16xf32, #tpu.memory_space<hbm>> -> memref<32x16xf32, #tpu.memory_space<hbm>>
      %dma_start3A_268 = arith.constant 0 : i32
      %dma_start3A_269 = tpu.memref_slice %arg5[%mul3A_2, %dma_start3A_268] : memref<1024x16xf32, #tpu.memory_space<hbm>> -> memref<32x16xf32, #tpu.memory_space<hbm>>
      tpu.enqueue_dma source(%arg10 : memref<32x16xf32, #tpu.memory_space<vmem>>) target(%dma_start3A_269 : memref<32x16xf32, #tpu.memory_space<hbm>>) target_semaphore(%run_scoped3A : memref<!tpu.dma_semaphore, #tpu.memory_space<semaphore_mem>>)
      %dma_wait3A_270 = arith.constant 0 : i32
      %dma_wait3A_271 = tpu.memref_slice %arg5[%mul3A_2, %dma_wait3A_270] : memref<1024x16xf32, #tpu.memory_space<hbm>> -> memref<32x16xf32, #tpu.memory_space<hbm>>
      %dma_wait3A_272 = arith.constant 0 : i32
      %dma_wait3A_273 = tpu.memref_slice %arg5[%mul3A_2, %dma_wait3A_272] : memref<1024x16xf32, #tpu.memory_space<hbm>> -> memref<32x16xf32, #tpu.memory_space<hbm>>
      tpu.wait_dma2 semaphore(%run_scoped3A : memref<!tpu.dma_semaphore, #tpu.memory_space<semaphore_mem>>) src(%arg10 : memref<32x16xf32, #tpu.memory_space<vmem>>) dst(%dma_wait3A_273 : memref<32x16xf32, #tpu.memory_space<hbm>>)
      tpu.yield
    }) : () -> ()
    return
  }
}

module attributes {stable_mosaic.version = 14 : i64} {
  func.func @_finish_body(%arg0: memref<1024x16xf32, #tpu.memory_space<vmem>>, %arg1: memref<1x1xf32, #tpu.memory_space<smem>>) attributes {dimension_semantics = [], scalar_prefetch = 0 : i64, scratch_operands = 0 : i64, tpu.core_type = #tpu.core_type<tc>} {
    %get3A = arith.constant 0 : index
    %get3A_0 = arith.constant 0 : index
    %get3A_1 = vector.load %arg0[%get3A, %get3A_0] : memref<1024x16xf32, #tpu.memory_space<vmem>>, vector<1024x16xf32>
    %reduce_sum3A = arith.constant dense<0.000000e+00> : vector<1024xf32>
    %reduce_sum3A_2 = vector.multi_reduction <add>, %get3A_1, %reduce_sum3A [1] : vector<1024x16xf32> to vector<1024xf32>
    %broadcast_in_dim3A = vector.shape_cast %reduce_sum3A_2 : vector<1024xf32> to vector<1024x1xf32>
    %log3A = math.log %broadcast_in_dim3A : vector<1024x1xf32>
    %reduce_sum3A_3 = vector.shape_cast %log3A : vector<1024x1xf32> to vector<1x1024x1xf32>
    %reduce_sum3A_4 = arith.constant dense<0.000000e+00> : vector<1xf32>
    %reduce_sum3A_5 = vector.multi_reduction <add>, %reduce_sum3A_3, %reduce_sum3A_4 [1, 2] : vector<1x1024x1xf32> to vector<1xf32>
    %reduce_sum3A_6 = vector.shape_cast %reduce_sum3A_5 : vector<1xf32> to vector<1x1x1xf32>
    %reduce_sum3A_7 = vector.extract %reduce_sum3A_6[0, 0, 0] : f32 from vector<1x1x1xf32>
    %mul3A = arith.constant 9.765625E-4 : f32
    %mul3A_8 = arith.mulf %reduce_sum3A_7, %mul3A : f32
    %swap3A = arith.constant 0 : index
    %swap3A_9 = arith.constant 0 : index
    %swap3A_10 = memref.load %arg1[%swap3A, %swap3A_9] : memref<1x1xf32, #tpu.memory_space<smem>>
    memref.store %mul3A_8, %arg1[%swap3A, %swap3A_9] : memref<1x1xf32, #tpu.memory_space<smem>>
    return
  }
}

module attributes {stable_mosaic.version = 14 : i64} {
  func.func @_topk_body(%arg0: memref<256x128xf32, #tpu.memory_space<vmem>>, %arg1: memref<1x64xf32, #tpu.memory_space<vmem>>, %arg2: memref<1x64xi32, #tpu.memory_space<vmem>>) attributes {dimension_semantics = [], scalar_prefetch = 0 : i64, scratch_operands = 0 : i64, tpu.core_type = #tpu.core_type<tc>} {
    %get3A = arith.constant 0 : index
    %get3A_0 = arith.constant 0 : index
    %get3A_1 = vector.load %arg0[%get3A, %get3A_0] : memref<256x128xf32, #tpu.memory_space<vmem>>, vector<256x128xf32>
    %reshape3A = vector.shape_cast %get3A_1 : vector<256x128xf32> to vector<4x64x128xf32>
    %iota3A = tpu.iota {dimensions = array<i32: 1>} : vector<4x64x128xi32>
    %iota3A_2 = tpu.iota {dimensions = array<i32: 0>} : vector<4x64x128xi32>
    %iota3A_3 = tpu.iota {dimensions = array<i32: 2>} : vector<4x64x128xi32>
    %mul3A = arith.constant 64 : i32
    %mul3A_4 = vector.broadcast %mul3A : i32 to vector<4x64x128xi32>
    %mul3A_5 = arith.muli %iota3A_2, %mul3A_4 : vector<4x64x128xi32>
    %add3A = arith.addi %mul3A_5, %iota3A : vector<4x64x128xi32>
    %mul3A_6 = arith.constant 128 : i32
    %mul3A_7 = vector.broadcast %mul3A_6 : i32 to vector<4x64x128xi32>
    %mul3A_8 = arith.muli %add3A, %mul3A_7 : vector<4x64x128xi32>
    %add3A_9 = arith.addi %mul3A_8, %iota3A_3 : vector<4x64x128xi32>
    %iota3A_10 = tpu.iota {dimensions = array<i32: 1>} : vector<4x64xi32>
    %broadcast_in_dim3A = arith.constant 0.000000e+00 : f32
    %broadcast_in_dim3A_11 = vector.broadcast %broadcast_in_dim3A : f32 to vector<4x64xf32>
    %broadcast_in_dim3A_12 = arith.constant 0 : i32
    %broadcast_in_dim3A_13 = vector.broadcast %broadcast_in_dim3A_12 : i32 to vector<4x64xi32>
    %scan3A = arith.constant 2147483647 : i32
    %scan3A_14 = arith.constant 0 : i32
    %scan3A_15 = arith.constant 64 : i32
    %scan3A_16 = arith.addi %scan3A_14, %scan3A_15 : i32
    %scan3A_17 = arith.constant 1 : i32
    %scan3A_18:3 = scf.for %scan3A_65 = %scan3A_14 to %scan3A_16 step %scan3A_17 iter_args(%scan3A_66 = %reshape3A, %scan3A_67 = %broadcast_in_dim3A_11, %scan3A_68 = %broadcast_in_dim3A_13) -> (vector<4x64x128xf32>, vector<4x64xf32>, vector<4x64xi32>)  : i32 {
      %reduce_max3A = arith.constant dense<0xFF800000> : vector<4xf32>
      %reduce_max3A_69 = vector.multi_reduction <maximumf>, %scan3A_66, %reduce_max3A [1, 2] : vector<4x64x128xf32> to vector<4xf32>
      %broadcast_in_dim3A_70 = vector.shape_cast %reduce_max3A_69 : vector<4xf32> to vector<4x1x1xf32>
      %eq3A_71 = vector.broadcast %broadcast_in_dim3A_70 : vector<4x1x1xf32> to vector<4x64x128xf32>
      %eq3A_72 = arith.cmpf oeq, %scan3A_66, %eq3A_71 : vector<4x64x128xf32>
      %broadcast_in_dim3A_73 = vector.broadcast %scan3A : i32 to vector<4x64x128xi32>
      %select_n3A_74 = arith.select %eq3A_72, %add3A_9, %broadcast_in_dim3A_73 : vector<4x64x128xi1>, vector<4x64x128xi32>
      %reduce_min3A = arith.constant dense<2147483647> : vector<4xi32>
      %reduce_min3A_75 = vector.multi_reduction <minsi>, %select_n3A_74, %reduce_min3A [1, 2] : vector<4x64x128xi32> to vector<4xi32>
      %broadcast_in_dim3A_76 = vector.shape_cast %reduce_min3A_75 : vector<4xi32> to vector<4x1x1xi32>
      %eq3A_77 = vector.broadcast %scan3A_65 : i32 to vector<4x64xi32>
      %eq3A_78 = arith.cmpi eq, %iota3A_10, %eq3A_77 : vector<4x64xi32>
      %squeeze3A = vector.shape_cast %broadcast_in_dim3A_70 : vector<4x1x1xf32> to vector<4x1xf32>
      %broadcast_in_dim3A_79 = vector.shape_cast %squeeze3A : vector<4x1xf32> to vector<4x1xf32>
      %broadcast_in_dim3A_80 = vector.broadcast %broadcast_in_dim3A_79 : vector<4x1xf32> to vector<4x64xf32>
      %select_n3A_81 = arith.select %eq3A_78, %broadcast_in_dim3A_80, %scan3A_67 : vector<4x64xi1>, vector<4x64xf32>
      %eq3A_82 = vector.broadcast %scan3A_65 : i32 to vector<4x64xi32>
      %eq3A_83 = arith.cmpi eq, %iota3A_10, %eq3A_82 : vector<4x64xi32>
      %squeeze3A_84 = vector.shape_cast %broadcast_in_dim3A_76 : vector<4x1x1xi32> to vector<4x1xi32>
      %broadcast_in_dim3A_85 = vector.shape_cast %squeeze3A_84 : vector<4x1xi32> to vector<4x1xi32>
      %broadcast_in_dim3A_86 = vector.broadcast %broadcast_in_dim3A_85 : vector<4x1xi32> to vector<4x64xi32>
      %select_n3A_87 = arith.select %eq3A_83, %broadcast_in_dim3A_86, %scan3A_68 : vector<4x64xi1>, vector<4x64xi32>
      %eq3A_88 = vector.broadcast %broadcast_in_dim3A_76 : vector<4x1x1xi32> to vector<4x64x128xi32>
      %eq3A_89 = arith.cmpi eq, %add3A_9, %eq3A_88 : vector<4x64x128xi32>
      %jit3A_90 = arith.constant 0xFF800000 : f32
      %broadcast_in_dim3A_91 = vector.broadcast %jit3A_90 : f32 to vector<4x64x128xf32>
      %select_n3A_92 = arith.select %eq3A_89, %broadcast_in_dim3A_91, %scan3A_66 : vector<4x64x128xi1>, vector<4x64x128xf32>
      scf.yield %select_n3A_92, %select_n3A_81, %select_n3A_87 : vector<4x64x128xf32>, vector<4x64xf32>, vector<4x64xi32>
    }
    %scan3A_19 = arith.constant 64 : i32
    %slice3A = vector.extract_strided_slice %scan3A_18#1 {offsets = [0, 0], sizes = [1, 64], strides = [1, 1]} : vector<4x64xf32> to vector<1x64xf32>
    %slice3A_20 = vector.extract_strided_slice %scan3A_18#1 {offsets = [1, 0], sizes = [1, 64], strides = [1, 1]} : vector<4x64xf32> to vector<1x64xf32>
    %slice3A_21 = vector.extract_strided_slice %scan3A_18#1 {offsets = [2, 0], sizes = [1, 64], strides = [1, 1]} : vector<4x64xf32> to vector<1x64xf32>
    %slice3A_22 = vector.extract_strided_slice %scan3A_18#1 {offsets = [3, 0], sizes = [1, 64], strides = [1, 1]} : vector<4x64xf32> to vector<1x64xf32>
    %concatenate3A = tpu.concatenate %slice3A, %slice3A_20, %slice3A_21, %slice3A_22 in 1 : vector<1x64xf32>, vector<1x64xf32>, vector<1x64xf32>, vector<1x64xf32> -> vector<1x256xf32>
    %slice3A_23 = vector.extract_strided_slice %scan3A_18#2 {offsets = [0, 0], sizes = [1, 64], strides = [1, 1]} : vector<4x64xi32> to vector<1x64xi32>
    %slice3A_24 = vector.extract_strided_slice %scan3A_18#2 {offsets = [1, 0], sizes = [1, 64], strides = [1, 1]} : vector<4x64xi32> to vector<1x64xi32>
    %slice3A_25 = vector.extract_strided_slice %scan3A_18#2 {offsets = [2, 0], sizes = [1, 64], strides = [1, 1]} : vector<4x64xi32> to vector<1x64xi32>
    %slice3A_26 = vector.extract_strided_slice %scan3A_18#2 {offsets = [3, 0], sizes = [1, 64], strides = [1, 1]} : vector<4x64xi32> to vector<1x64xi32>
    %concatenate3A_27 = tpu.concatenate %slice3A_23, %slice3A_24, %slice3A_25, %slice3A_26 in 1 : vector<1x64xi32>, vector<1x64xi32>, vector<1x64xi32>, vector<1x64xi32> -> vector<1x256xi32>
    %transpose3A = tpu.transpose %concatenate3A, [1, 0] : vector<1x256xf32> -> vector<256x1xf32>
    %transpose3A_28 = tpu.transpose %concatenate3A_27, [1, 0] : vector<1x256xi32> -> vector<256x1xi32>
    %gt3A = vector.broadcast %concatenate3A : vector<1x256xf32> to vector<256x256xf32>
    %gt3A_29 = vector.broadcast %transpose3A : vector<256x1xf32> to vector<256x256xf32>
    %gt3A_30 = arith.cmpf ogt, %gt3A, %gt3A_29 : vector<256x256xf32>
    %eq3A = vector.broadcast %concatenate3A : vector<1x256xf32> to vector<256x256xf32>
    %eq3A_31 = vector.broadcast %transpose3A : vector<256x1xf32> to vector<256x256xf32>
    %eq3A_32 = arith.cmpf oeq, %eq3A, %eq3A_31 : vector<256x256xf32>
    %lt3A = vector.broadcast %concatenate3A_27 : vector<1x256xi32> to vector<256x256xi32>
    %lt3A_33 = vector.broadcast %transpose3A_28 : vector<256x1xi32> to vector<256x256xi32>
    %lt3A_34 = arith.cmpi slt, %lt3A, %lt3A_33 : vector<256x256xi32>
    %and3A = arith.andi %eq3A_32, %lt3A_34 : vector<256x256xi1>
    %or3A = arith.ori %gt3A_30, %and3A : vector<256x256xi1>
    %jit3A = arith.constant 1 : i32
    %jit3A_35 = arith.constant 0 : i32
    %broadcast_in_dim3A_36 = vector.broadcast %jit3A : i32 to vector<256x256xi32>
    %broadcast_in_dim3A_37 = vector.broadcast %jit3A_35 : i32 to vector<256x256xi32>
    %select_n3A = arith.select %or3A, %broadcast_in_dim3A_36, %broadcast_in_dim3A_37 : vector<256x256xi1>, vector<256x256xi32>
    %reduce_sum3A = arith.constant dense<0> : vector<256xi32>
    %reduce_sum3A_38 = vector.multi_reduction <add>, %select_n3A, %reduce_sum3A [1] : vector<256x256xi32> to vector<256xi32>
    %broadcast_in_dim3A_39 = vector.shape_cast %reduce_sum3A_38 : vector<256xi32> to vector<256x1xi32>
    %iota3A_40 = tpu.iota {dimensions = array<i32: 1>} : vector<1x64xi32>
    %eq3A_41 = vector.broadcast %broadcast_in_dim3A_39 : vector<256x1xi32> to vector<256x64xi32>
    %eq3A_42 = vector.broadcast %iota3A_40 : vector<1x64xi32> to vector<256x64xi32>
    %eq3A_43 = arith.cmpi eq, %eq3A_41, %eq3A_42 : vector<256x64xi32>
    %jit3A_44 = arith.constant 0.000000e+00 : f32
    %broadcast_in_dim3A_45 = vector.shape_cast %transpose3A : vector<256x1xf32> to vector<256x1xf32>
    %broadcast_in_dim3A_46 = vector.broadcast %broadcast_in_dim3A_45 : vector<256x1xf32> to vector<256x64xf32>
    %broadcast_in_dim3A_47 = vector.broadcast %jit3A_44 : f32 to vector<256x64xf32>
    %select_n3A_48 = arith.select %eq3A_43, %broadcast_in_dim3A_46, %broadcast_in_dim3A_47 : vector<256x64xi1>, vector<256x64xf32>
    %reduce_sum3A_49 = arith.constant dense<0.000000e+00> : vector<64xf32>
    %reduce_sum3A_50 = vector.multi_reduction <add>, %select_n3A_48, %reduce_sum3A_49 [0] : vector<256x64xf32> to vector<64xf32>
    %broadcast_in_dim3A_51 = vector.shape_cast %reduce_sum3A_50 : vector<64xf32> to vector<1x64xf32>
    %swap3A = arith.constant 0 : index
    %swap3A_52 = arith.constant 0 : index
    %swap3A_53 = vector.load %arg1[%swap3A, %swap3A_52] : memref<1x64xf32, #tpu.memory_space<vmem>>, vector<1x64xf32>
    tpu.vector_store %arg1[%swap3A, %swap3A_52], %broadcast_in_dim3A_51 {strides = array<i32>} : memref<1x64xf32, #tpu.memory_space<vmem>>, vector<1x64xf32>,
    %jit3A_54 = arith.constant 0 : i32
    %broadcast_in_dim3A_55 = vector.shape_cast %transpose3A_28 : vector<256x1xi32> to vector<256x1xi32>
    %broadcast_in_dim3A_56 = vector.broadcast %broadcast_in_dim3A_55 : vector<256x1xi32> to vector<256x64xi32>
    %broadcast_in_dim3A_57 = vector.broadcast %jit3A_54 : i32 to vector<256x64xi32>
    %select_n3A_58 = arith.select %eq3A_43, %broadcast_in_dim3A_56, %broadcast_in_dim3A_57 : vector<256x64xi1>, vector<256x64xi32>
    %reduce_sum3A_59 = arith.constant dense<0> : vector<64xi32>
    %reduce_sum3A_60 = vector.multi_reduction <add>, %select_n3A_58, %reduce_sum3A_59 [0] : vector<256x64xi32> to vector<64xi32>
    %broadcast_in_dim3A_61 = vector.shape_cast %reduce_sum3A_60 : vector<64xi32> to vector<1x64xi32>
    %swap3A_62 = arith.constant 0 : index
    %swap3A_63 = arith.constant 0 : index
    %swap3A_64 = vector.load %arg2[%swap3A_62, %swap3A_63] : memref<1x64xi32, #tpu.memory_space<vmem>>, vector<1x64xi32>
    tpu.vector_store %arg2[%swap3A_62, %swap3A_63], %broadcast_in_dim3A_61 {strides = array<i32>} : memref<1x64xi32, #tpu.memory_space<vmem>>, vector<1x64xi32>,
    return
  }
}

</mosaic_0001>

<sc_bundles>
// kernel: kernel.5.cloned.1.call-start
scs
__scs_entry_jumppad:
0x0: {  	(pc) =	sbr.rel $0x88, $3  }
0x1: {  	(tag) =	ssettag $0x0;
	lr =	simm.s32 $0x1  }
0x2: {  	[smem:$0x3F9F] =	sst lr;
	_ =	strace $0xD0000000  }
0x3: {  	_ = 	snop  }
0x4: {  	_ = 	snop  }
0x5: {  	_ = 	snop  }
0x6: {  	_ = 	snop  }
0x7: {  	_ = 	snop  }
__scs_overlays_trampoline_lowered:
0x8: {  	[smem:$0x3FAE] =	sst s0  }
0x9: {  	[smem:$0x3FAF] =	sst s1  }
0xa: {  	[smem:$0x3FB0] =	sst s2  }
0xb: {  	[smem:$0x3FB1] =	sst s3  }
0xc: {  	[smem:$0x3FB2] =	sst s4  }
0xd: {  	[smem:$0x3FB3] =	sst s5  }
0xe: {  	[smem:$0x3FB4] =	sst s6  }
0xf: {  	[smem:$0x3FB5] =	sst s7  }
0x10: {  	[smem:$0x3FB6] =	sst s8  }
0x11: {  	[smem:$0x3FB7] =	sst s9;
	s0 =	simm.s32 @!p0 $0x0  }
0x12: {  	s1 =	sld [smem:$0x3F9D];
	s0 =	simm.s32 @p0 $0x1  }
0x13: {  	[smem:$0x3FB8] =	sst s0;
	s0 =	simm.s32 @!p1 $0x0  }
0x14: {  	s2 =	sld [smem:$0x3F9C];
	s0 =	simm.s32 @p1 $0x1  }
0x15: {  	[smem:$0x3FB9] =	sst s0;
	s0 =	simm.s32 @!p2 $0x0  }
0x16: {  	s3 =	sld [smem:$0x3FDB];
	s0 =	simm.s32 @p2 $0x1  }
0x17: {  	s4 =	simm.s32 $0x1BF5;
	[smem:$0x3FBB] =	sst s0  }
0x18: {  	s0 =	sld [smem:$0x3F9E];
	_ =	swait.ge [sflag:s4], $0x0  }
0x19: {  	s7 =	sld [smem:$0x3F9F]  }
0x1a: {  	s8 =	sadd.s32 $0xFFFFE003, lr  }
0x1b: {  	s9 =	sadd.s32 $0xFFFFFEF7, lr;
	s5 =	simm.s32 $0xFFFFFFFF;
	p2 =	slt.u32 s8, $0xFFFFF086  }
0x1c: {  	p1 =	slt.u32 s9, $0xF7A;
	s5 =	simm.s32 @!p2 $0x0  }
0x1d: {  	s5 =	simm.s32 @p1 $0x1;
	p0 =	seq.s32 s7, s2  }
0x1e: {  	s7 =	smul.u32 @!p0 $0xF7A, s2;
	p2 =	seq.s32 @!p0 s5, $0x0  }
0x1f: {  	s9 =	smul.u32 $0xF7A, s1;
	s8 =	simm.s32 @!p0 $0x1BF5;
	p2 =	por !p2, p0  }
0x20: {  	[sflag:s8] =	ssyncset.s32 @!p0 $0xFFFFF086;
	s6 =	sadd.s32 @!p0 s3, s7;
	s7 =	simm.s32 @!p0 $0x108  }
0x21: {  	s3 =	sadd.s32 s3, s9;
	s6 =	sadd.s32 @!p0 $0x88, s6;
	s7 =	simm.s32 @p2 $0x1082  }
0x22: {  	[simem:s7], [sflag:s8] =	dma.local @!p0 [hbm:s6], $0xF7A  }
0x23: {  	s9 =	sor.u32 $0xD0000000, s2;
	s6 =	simm.s32 $0x108;
	_ =	swait.ge @!p0 [sflag:s8], $0x0  }
0x24: {  	s3 =	sadd.s32 $0x88, s3;
	s6 =	simm.s32 @!p1 $0x1082;
	[sflag:s4] =	ssyncset.s32 $0xFFFFF086  }
0x25: {  	[simem:s6], [sflag:s4] =	dma.local [hbm:s3], $0xF7A  }
0x26: {  	[smem:$0x3F9F] =	sst s1;
	(tag) =	ssettag s2;
	_ =	strace s9  }
0x27: {  	s1 =	sld [smem:$0x3FAF]  }
0x28: {  	s2 =	sld [smem:$0x3FB0]  }
0x29: {  	s4 =	sld [smem:$0x3FB2]  }
0x2a: {  	p0 =	seq.s32 s5, $0x0;
	s5 =	sld [smem:$0x3FB3]  }
0x2b: {  	s6 =	sld [smem:$0x3FB4]  }
0x2c: {  	s7 =	sld [smem:$0x3FB5]  }
0x2d: {  	s3 =	simm.s32 $0x108;
	s8 =	sld [smem:$0x3FB6]  }
0x2e: {  	s3 =	simm.s32 @!p0 $0x1082;
	s9 =	sld [smem:$0x3FB7]  }
0x2f: {  	lr =	sadd.s32 s0, s3;
	s0 =	sld [smem:$0x3FAE]  }
0x30: {  	s3 =	sld [smem:$0x3FB1]  }
0x31: {  	[smem:$0x3FBA] =	sst s10  }
0x32: {  	s10 =	sld [smem:$0x3FB8];
	_ =	sdelay $0x3  }
0x33: {  	p0 =	seq.s32 s10, $0x1;
	s10 =	sld [smem:$0x3FBA];
	_ =	sdelay $0x3  }
0x34: {  	[smem:$0x3FBA] =	sst s10  }
0x35: {  	s10 =	sld [smem:$0x3FB9];
	_ =	sdelay $0x3  }
0x36: {  	p1 =	seq.s32 s10, $0x1;
	s10 =	sld [smem:$0x3FBA];
	_ =	sdelay $0x3  }
0x37: {  	[smem:$0x3FBA] =	sst s10  }
0x38: {  	s10 =	sld [smem:$0x3FBB]  }
0x39: {  	_ = 	snop;
	(pc) =	sbr.ind lr, $3  }
0x3a: {  	_ = 	snop  }
0x3b: {  	_ = 	snop  }
0x3c: {  	p2 =	seq.s32 s10, $0x1;
	s10 =	sld [smem:$0x3FBA]  }
0x3d: {  	_ =	shalt  }
0x3e: {  	_ =	shalt  }
0x3f: {  	_ =	shalt  }
0x40: {  	_ =	shalt  }
0x41: {  	_ =	shalt  }
0x42: {  	_ =	shalt  }
0x43: {  	_ =	shalt  }
0x44: {  	_ =	shalt  }
0x45: {  	_ =	shalt  }
0x46: {  	_ =	shalt  }
0x47: {  	_ =	shalt  }
0x48: {  	_ =	shalt  }
0x49: {  	_ =	shalt  }
0x4a: {  	_ =	shalt  }
0x4b: {  	_ =	shalt  }
0x4c: {  	_ =	shalt  }
0x4d: {  	_ =	shalt  }
0x4e: {  	_ =	shalt  }
0x4f: {  	_ =	shalt  }
0x50: {  	_ =	shalt  }
0x51: {  	_ =	shalt  }
0x52: {  	_ =	shalt  }
0x53: {  	_ =	shalt  }
0x54: {  	_ =	shalt  }
0x55: {  	_ =	shalt  }
0x56: {  	_ =	shalt  }
0x57: {  	_ =	shalt  }
0x58: {  	_ =	shalt  }
0x59: {  	_ =	shalt  }
0x5a: {  	_ =	shalt  }
0x5b: {  	_ =	shalt  }
0x5c: {  	_ =	shalt  }
0x5d: {  	_ =	shalt  }
0x5e: {  	_ =	shalt  }
0x5f: {  	_ =	shalt  }
0x60: {  	_ =	shalt  }
0x61: {  	_ =	shalt  }
0x62: {  	_ =	shalt  }
0x63: {  	_ =	shalt  }
0x64: {  	_ =	shalt  }
0x65: {  	_ =	shalt  }
0x66: {  	_ =	shalt  }
0x67: {  	_ =	shalt  }
0x68: {  	_ =	shalt  }
0x69: {  	_ =	shalt  }
0x6a: {  	_ =	shalt  }
0x6b: {  	_ =	shalt  }
0x6c: {  	_ =	shalt  }
0x6d: {  	_ =	shalt  }
0x6e: {  	_ =	shalt  }
0x6f: {  	_ =	shalt  }
0x70: {  	_ =	shalt  }
0x71: {  	_ =	shalt  }
0x72: {  	_ =	shalt  }
0x73: {  	_ =	shalt  }
0x74: {  	_ =	shalt  }
0x75: {  	_ =	shalt  }
0x76: {  	_ =	shalt  }
0x77: {  	_ =	shalt  }
0x78: {  	_ =	shalt  }
0x79: {  	_ =	shalt  }
0x7a: {  	_ =	shalt  }
0x7b: {  	_ =	shalt  }
0x7c: {  	_ =	shalt  }
0x7d: {  	_ =	shalt  }
0x7e: {  	_ =	shalt  }
0x7f: {  	_ =	shalt  }
0x80: {  	_ =	shalt  }
0x81: {  	_ =	shalt  }
0x82: {  	_ =	shalt  }
0x83: {  	_ =	shalt  }
0x84: {  	_ =	shalt  }
0x85: {  	_ =	shalt  }
0x86: {  	_ =	shalt  }
0x87: {  	_ =	shalt  }
.Lfunc_end0:
.L_simem_size_0:
called_computation_lowered:
.L_overlay_start_0:
0x88: {  	s2 =	sld [smem:$0x3FD9]  }
0x89: {  	s3 =	sld [smem:$0x3FFE];
	_ =	sdelay $0x1  }
0x8a: {  	s1 =	srdreg.scid  }
0x8b: {  	s0 =	sand.u32 $0x1, s1  }
0x8c: {  	s17 =	sshll.u32 s0, $0xA;
	s2 =	sadd.s32 s3, s2  }
0x8d: {  	s2 =	sadd.s32 s2, s17  }
0x8e: {  	[smem:$0x3FC6] =	sst s2  }
0x8f: {  	_ = 	snop  }
0x90: {  	s2 =	sld [smem:$0x3FC8]  }
0x91: {  	s18 =	sld [smem:$0x3FD0];
	(tm) =	ssettm $0x1  }
0x92: {  	s4 =	sld [smem:$0x3FFB];
	_ =	sdelay $0x3  }
0x93: {  	_ =	strace s4  }
0x94: {  	s4 =	sld [smem:$0x3FFC];
	_ =	sdelay $0x3  }
0x95: {  	_ =	strace s4  }
0x96: {  	s4 =	sld [smem:$0x3FFD];
	_ =	sdelay $0x3  }
0x97: {  	_ =	strace s4  }
0x98: {  	_ =	strace $0x8FFFFFFF  }
0x99: {  	s19 =	sld [smem:$0x3FDB];
	_ =	sdelay $0x1  }
0x9a: {  	s5 =	simm.s32 $_scs_section_size  }
0x9b: {  	s6 =	simm.s32 $_size__tile_overlayer_lowered;
	s7 =	simm.s32 $_tile_overlayer_lowered  }
0x9c: {  	s22 =	simm.s32 $0x1BFF;
	s21 =	sshll.u32 s7, $0x1;
	s4 =	sadd.s32 s5, s19  }
0x9d: {  	s8 =	simm.s32 $0x0;
	s20 =	sshll.u32 s6, $0x1;
	s6 =	sadd.s32 s21, s4  }
0x9e: {  	[timem:s8], [sflag:s22] =	dma.local [hbm:s6], s20  }
0x9f: {  	_ =	swait.ge [sflag:s22], s20  }
0xa0: {  	s5 =	ssub.s32 $0x0, s20;
	[sflag:s22] =	ssyncset.done $0x0  }
0xa1: {  	[sflag:s22] =	ssyncadd.s32 s5;
	_ =	sdelay $0x1  }
0xa2: {  	s23 =	simm.s32 $0x1B8B  }
0xa3: {  	_ =	swait.ge [sflag:s23], $0x1  }
0xa4: {  	[sflag:s23] =	ssyncset.done $0x0  }
0xa5: {  	s25 =	simm.s32 $0x1B8E;
	s24 =	sld [smem:$0x3FFE];
	[sflag:s23] =	ssyncadd.s32 $0xFFFFFFFF  }
0xa6: {  	s26 =	simm.s32 $execute0_lowered;
	[smem:$0x3FD2] =	sst s25  }
0xa7: {  	s6 =	sshll.u32 s26, $0x1;
	_ =	strace $0x80000046;
	[dreg:$0x1] =	wrdreg $0xFFFFFFFF  }
0xa8: {  	s28 =	simm.s32 $_size_execute0_lowered;
	s4 =	sadd.s32 s4, s6;
	[dreg:$0x0] =	wrdreg $0x0  }
0xa9: {  	s6 =	sshll.u32 s28, $0x1;
	[dreg:$0x2] =	wrdreg s4  }
0xaa: {  	[dreg:$0x3] =	wrdreg s6  }
0xab: {  	[dreg:$0x4] =	wrdreg $0xC0  }
0xac: {  	_ =	task [dreg:s8], $0x5FFFF  }
0xad: {  	[dreg:$0x1] =	wrdreg $0xFFFFFFFF  }
0xae: {  	[dreg:$0x0] =	wrdreg $0x60  }
0xaf: {  	[dreg:$0x2] =	wrdreg s2  }
0xb0: {  	[dreg:$0x3] =	wrdreg s18  }
0xb1: {  	[dreg:$0x4] =	wrdreg s24  }
0xb2: {  	[dreg:$0x5] =	wrdreg $0x9  }
0xb3: {  	_ =	task.clear_ibuf [dreg:s8], $0x6FFFF;
	_ =	strace $0x90000046  }
0xb4: {  	s29 =	simm.s32 $0x9;
	_ =	strace $0x80000048  }
0xb5: {  	_ =	swait.ge [sflag:s29], $0x1  }
0xb6: {  	[sflag:s29] =	ssyncadd.s32 $0xFFFFFFFF  }
0xb7: {  	_ =	strace $0x90000048  }
0xb8: {  	_ =	sfence  }
0xb9: {  	s30 =	sld [smem:$0x0];
	_ =	sdelay $0x2  }
0xba: {  	s31 =	sshll.u32 s1, $0xD;
	s1 =	sshrl.u32 s1, $0x2  }
0xbb: {  	s3 =	sand.u32 $0x4000, s31;
	s1 =	sadd.s32 s1, s30  }
0xbc: {  	s0 =	sor.u32 s3, s0;
	s1 =	sshll.u32 s1, $0x11  }
0xbd: {  	s0 =	sor.u32 s1, s0  }
0xbe: {  	s0 =	sadd.s32 $0x8F2B, s0  }
0xbf: {  	[sflag:s0] =	ssyncadd.remote.s32 $0x1  }
0xc0: {  	_ =	sfence.sel $0xFFFF  }
0xc1: {  	[dreg:$0x0] =	wrdreg $0xFFFFFFFF;
	(pc) =	sbr.abs _section_cstart, $3  }
0xc2: {  	[dreg:$0x1] =	wrdreg $0xFFFFFFFF  }
0xc3: {  	_ =	task.clear_ibuf [dreg:s8], $0x2FFFF;
	_ =	strace $0x9FFFFFFF  }
0xc4: {  	(tm) =	ssettm $0x7FFFFFFF  }
0xc5: {  	_ =	shalt  }
tec
execute0_lowered:
.L_overlay_start_1:
0x0: {  	(tag) =	ssettag $0x1  }
0x1: {  	s1 =	rddreg [dreg:$0x0]  }
0x2: {  	s0 =	rddreg [dreg:$0x2]  }
0x3: {  	s4 =	simm.s32 $0x0;
	s2 =	srdreg.scid;
	s8 =	stileid.u32  }
0x4: {  	s9 =	simm.s32 $0x2;
	s10 =	simm.s32 $0x80;
	s29 =	simm.s32 $0xD00  }
0x5: {  	s30 =	simm.s32 $0x580;
	s31 =	simm.s32 $0xD80;
	s11 =	simm.s32 $0xE80  }
0x6: {  	s12 =	simm.s32 $0x700;
	s13 =	simm.s32 $0xF00;
	s14 =	simm.s32 $0x780  }
0x7: {  	s15 =	simm.s32 $0xF80;
	s16 =	simm.s32 $0x800;
	s17 =	simm.s32 $0x1000  }
0x8: {  	s18 =	simm.s32 $0x880;
	s19 =	simm.s32 $0x1080;
	s20 =	simm.s32 $0x1  }
0x9: {  	s21 =	simm.s32 $0x1100;
	s22 =	simm.s32 $0x0;
	[smem:$0x7FF] =	sst s4  }
0xa: {  	s2 =	sand.u32 $0x1, s2;
	s3 =	sshll.u32 s8, $0xA;
	s28 =	sshll.u32 s8, $0x15  }
0xb: {  	s5 =	sshll.u32 s2, $0x9;
	s6 =	ssub.s32 $0x2, s2;
	_ =	strace $0x80000047  }
0xc: {  	s2 =	sshll.u32 s2, $0x14;
	s3 =	sor.u32 s5, s3;
	s7 =	sshrl.u32 s6, $0x1  }
0xd: {  	s5 =	sadd.s32 $0xE00, s0;
	s8 =	sor.u32 s2, s28;
	s2 =	simm.s32 $0x680  }
0xe: {  	s0 =	sadd.s32 s3, s0;
	s26 =	ssub.s32 s6, s7;
	s3 =	simm.s32 $0xE00  }
0xf: {  	s6 =	sadd.s32 $0x1000, s0;
	s7 =	smax.u32 s26, $0x1;
	s0 =	simm.s32 $0x600  }
.LBB2_1:
0x10: {  	s23 =	rddreg [dreg:$0x1]  }
0x11: {  	[tilespmem:s4], [sflag:$0x2] =	stream.linear.gather [hbm4b:s23+s4], $0x80, $0x38;
	[tilespmem:$0x2100] =	vst v63  }
0x12: {  	_ =	swait.ge [sflag:s9], $0x80  }
0x13: {  	[sflag:s9] =	ssyncset.done $0x0  }
0x14: {  	[sflag:s9] =	ssyncadd.s32 $0xFFFFFF80  }
0x15: {  	[tilespmem:s10], [sflag:$0x2] =	stream.linear.gather [hbm4b:s5+s4], $0x80, $0x38;
	[tilespmem:$0x2100] =	vst v63  }
0x16: {  	_ =	swait.ge [sflag:s9], $0x80  }
0x17: {  	[sflag:s9] =	ssyncset.done $0x0  }
0x18: {  	[sflag:s9] =	ssyncadd.s32 $0xFFFFFF80  }
0x19: {  	v0 =	vld [tilespmem:$0x0]  }
0x1a: {  	v1 =	vld [tilespmem:$0x10]  }
0x1b: {  	v2 =	vld [tilespmem:$0x30]  }
0x1c: {  	v3 =	vld [tilespmem:$0x20];
	_ =	sdelay $0x3  }
0x1d: {  	v4 =	vshll.u32 v0, $0x3;
	v0 =	vand.u32 $0x7F, v0;
	v5 =	vshll.u32 v2, $0x3  }
0x1e: {  	v2 =	vand.u32 $0x7F, v2;
	v6 =	vand.u32 $0x7F, v1;
	v7 =	vshll.u32 v3, $0x3  }
0x1f: {  	s28 =	sand.u32 $0x380, s4;
	s24 =	sand.u32 $0x1FC0000, s8;
	v3 =	vand.u32 $0x7F, v3;
	v4 =	vand.u32 $0xFFFFFC00, v4;
	v5 =	vand.u32 $0xFFFFFC00, v5  }
0x20: {  	s25 =	sor.u32 s28, s24;
	v0 =	vor.u32 v0, v4;
	v4 =	vshll.u32 v1, $0x3;
	v1 =	vor.u32 v2, v5  }
0x21: {  	s23 =	simm.s32 $0x120;
	v5 =	vand.u32 $0xFFFFFC00, v7;
	v4 =	vand.u32 $0xFFFFFC00, v4;
	v7 =	vadd.s32 s25, v1  }
0x22: {  	v3 =	vor.u32 v3, v5;
	v2 =	vor.u32 v6, v4;
	v6 =	vadd.s32 s25, v0;
	[tilespmem:s23+$0x10] =	vst v7  }
0x23: {  	s24 =	simm.s32 $0x80;
	v4 =	vadd.s32 s25, v3;
	v5 =	vadd.s32 s25, v2;
	[tilespmem:s23+$0xFFFFFFE0] =	vst v6;
	s25 =	smov.u32 s8  }
.LBB2_2:
0x24: {  	s26 =	sand.u32 $0x380, s24;
	[tilespmem:s23+$0xFFFFFFF0] =	vst v5;
	s25 =	sadd.s32 $0x8000, s25;
	p0 =	sne.s32 s24, $0xF80  }
.Ltmp0:
0x25: {  	s24 =	sadd.s32 $0x80, s24;
	s28 =	sand.u32 $0x1FC0000, s25;
	[tilespmem:s23+$0x0] =	vst v4;
	(pc) =	sbr.rel @p0 .LBB2_2-.Ltmp0, $4  }
0x26: {  	s26 =	sor.u32 s26, s28  }
0x27: {  	s23 =	sadd.s32 $0x40, s23;
	v6 =	vadd.s32 s26, v0;
	v5 =	vadd.s32 s26, v2;
	v7 =	vadd.s32 s26, v1  }
0x28: {  	v4 =	vadd.s32 s26, v3;
	[tilespmem:s23+$0x10] =	vst v7  }
0x29: {  	[tilespmem:s23+$0xFFFFFFE0] =	vst v6  }
0x2a: {  	[tilespmem:s23+$0xFFFFFFF0] =	vst v5  }
0x2b: {  	[tilespmem:s23+$0x0] =	vst v4;
	s28 =	simm.s32 $0x100;
	s24 =	simm.s32 $0x900  }
0x2c: {  	[tilespmem:s24], [sflag:$0x1] =	stream.indirect.gather [hbm4b:s1+s10], $0x1, s28, s10, $0xb8;
	[tilespmem:$0x2100] =	vst v63  }
0x2d: {  	s25 =	simm.s32 $0x980;
	s24 =	simm.s32 $0x180  }
0x2e: {  	[tilespmem:s25], [sflag:$0x1] =	stream.indirect.gather [hbm4b:s1+s10], $0x1, s24, s10, $0xb8;
	[tilespmem:$0x2100] =	vst v63  }
0x2f: {  	s26 =	simm.s32 $0x200;
	s28 =	simm.s32 $0xA00  }
0x30: {  	[tilespmem:s28], [sflag:$0x1] =	stream.indirect.gather [hbm4b:s1+s10], $0x1, s26, s10, $0xb8;
	[tilespmem:$0x2100] =	vst v63  }
0x31: {  	s24 =	simm.s32 $0x280;
	s25 =	simm.s32 $0xA80  }
0x32: {  	[tilespmem:s25], [sflag:$0x1] =	stream.indirect.gather [hbm4b:s1+s10], $0x1, s24, s10, $0xb8;
	[tilespmem:$0x2100] =	vst v63  }
0x33: {  	s26 =	simm.s32 $0x300;
	s28 =	simm.s32 $0xB00  }
0x34: {  	[tilespmem:s28], [sflag:$0x1] =	stream.indirect.gather [hbm4b:s1+s10], $0x1, s26, s10, $0xb8;
	[tilespmem:$0x2100] =	vst v63  }
0x35: {  	s24 =	simm.s32 $0x380;
	s25 =	simm.s32 $0xB80  }
0x36: {  	[tilespmem:s25], [sflag:$0x1] =	stream.indirect.gather [hbm4b:s1+s10], $0x1, s24, s10, $0xb8;
	[tilespmem:$0x2100] =	vst v63  }
0x37: {  	s26 =	simm.s32 $0x400;
	s28 =	simm.s32 $0xC00  }
0x38: {  	[tilespmem:s28], [sflag:$0x1] =	stream.indirect.gather [hbm4b:s1+s10], $0x1, s26, s10, $0xb8;
	[tilespmem:$0x2100] =	vst v63  }
0x39: {  	s25 =	simm.s32 $0x480;
	s26 =	simm.s32 $0xC80  }
0x3a: {  	[tilespmem:s26], [sflag:$0x1] =	stream.indirect.gather [hbm4b:s1+s10], $0x1, s25, s10, $0xb8;
	[tilespmem:$0x2100] =	vst v63  }
0x3b: {  	s28 =	simm.s32 $0x500  }
0x3c: {  	[tilespmem:s29], [sflag:$0x1] =	stream.indirect.gather [hbm4b:s1+s10], $0x1, s28, s10, $0xb8;
	[tilespmem:$0x2100] =	vst v63  }
0x3d: {  	_ = 	snop  }
0x3e: {  	[tilespmem:s31], [sflag:$0x1] =	stream.indirect.gather [hbm4b:s1+s10], $0x1, s30, s10, $0xb8;
	[tilespmem:$0x2100] =	vst v63  }
0x3f: {  	_ = 	snop  }
0x40: {  	[tilespmem:s3], [sflag:$0x1] =	stream.indirect.gather [hbm4b:s1+s10], $0x1, s0, s10, $0xb8;
	[tilespmem:$0x2100] =	vst v63  }
0x41: {  	_ = 	snop  }
0x42: {  	[tilespmem:s11], [sflag:$0x1] =	stream.indirect.gather [hbm4b:s1+s10], $0x1, s2, s10, $0xb8;
	[tilespmem:$0x2100] =	vst v63  }
0x43: {  	_ = 	snop  }
0x44: {  	[tilespmem:s13], [sflag:$0x1] =	stream.indirect.gather [hbm4b:s1+s10], $0x1, s12, s10, $0xb8;
	[tilespmem:$0x2100] =	vst v63  }
0x45: {  	_ = 	snop  }
0x46: {  	[tilespmem:s15], [sflag:$0x1] =	stream.indirect.gather [hbm4b:s1+s10], $0x1, s14, s10, $0xb8;
	[tilespmem:$0x2100] =	vst v63  }
0x47: {  	_ = 	snop  }
0x48: {  	[tilespmem:s17], [sflag:$0x1] =	stream.indirect.gather [hbm4b:s1+s10], $0x1, s16, s10, $0xb8;
	[tilespmem:$0x2100] =	vst v63  }
0x49: {  	_ = 	snop  }
0x4a: {  	[tilespmem:s19], [sflag:$0x1] =	stream.indirect.gather [hbm4b:s1+s10], $0x1, s18, s10, $0xb8;
	[tilespmem:$0x2100] =	vst v63  }
0x4b: {  	_ =	swait.ge [sflag:s20], $0x80  }
0x4c: {  	[sflag:s20] =	ssyncset.done $0x0  }
0x4d: {  	[sflag:s20] =	ssyncadd.s32 $0xFFFFFF80  }
0x4e: {  	_ =	swait.ge [sflag:s20], $0x80  }
0x4f: {  	[sflag:s20] =	ssyncset.done $0x0  }
0x50: {  	[sflag:s20] =	ssyncadd.s32 $0xFFFFFF80  }
0x51: {  	_ =	swait.ge [sflag:s20], $0x80  }
0x52: {  	[sflag:s20] =	ssyncset.done $0x0  }
0x53: {  	[sflag:s20] =	ssyncadd.s32 $0xFFFFFF80  }
0x54: {  	_ =	swait.ge [sflag:s20], $0x80  }
0x55: {  	[sflag:s20] =	ssyncset.done $0x0  }
0x56: {  	[sflag:s20] =	ssyncadd.s32 $0xFFFFFF80  }
0x57: {  	_ =	swait.ge [sflag:s20], $0x80  }
0x58: {  	[sflag:s20] =	ssyncset.done $0x0  }
0x59: {  	[sflag:s20] =	ssyncadd.s32 $0xFFFFFF80  }
0x5a: {  	_ =	swait.ge [sflag:s20], $0x80  }
0x5b: {  	[sflag:s20] =	ssyncset.done $0x0  }
0x5c: {  	[sflag:s20] =	ssyncadd.s32 $0xFFFFFF80  }
0x5d: {  	_ =	swait.ge [sflag:s20], $0x80  }
0x5e: {  	[sflag:s20] =	ssyncset.done $0x0  }
0x5f: {  	[sflag:s20] =	ssyncadd.s32 $0xFFFFFF80  }
0x60: {  	_ =	swait.ge [sflag:s20], $0x80  }
0x61: {  	[sflag:s20] =	ssyncset.done $0x0  }
0x62: {  	[sflag:s20] =	ssyncadd.s32 $0xFFFFFF80  }
0x63: {  	_ =	swait.ge [sflag:s20], $0x80  }
0x64: {  	[sflag:s20] =	ssyncset.done $0x0  }
0x65: {  	[sflag:s20] =	ssyncadd.s32 $0xFFFFFF80  }
0x66: {  	_ =	swait.ge [sflag:s20], $0x80  }
0x67: {  	[sflag:s20] =	ssyncset.done $0x0  }
0x68: {  	[sflag:s20] =	ssyncadd.s32 $0xFFFFFF80  }
0x69: {  	_ =	swait.ge [sflag:s20], $0x80  }
0x6a: {  	[sflag:s20] =	ssyncset.done $0x0  }
0x6b: {  	[sflag:s20] =	ssyncadd.s32 $0xFFFFFF80  }
0x6c: {  	_ =	swait.ge [sflag:s20], $0x80  }
0x6d: {  	[sflag:s20] =	ssyncset.done $0x0  }
0x6e: {  	[sflag:s20] =	ssyncadd.s32 $0xFFFFFF80  }
0x6f: {  	_ =	swait.ge [sflag:s20], $0x80  }
0x70: {  	[sflag:s20] =	ssyncset.done $0x0  }
0x71: {  	[sflag:s20] =	ssyncadd.s32 $0xFFFFFF80  }
0x72: {  	_ =	swait.ge [sflag:s20], $0x80  }
0x73: {  	[sflag:s20] =	ssyncset.done $0x0  }
0x74: {  	[sflag:s20] =	ssyncadd.s32 $0xFFFFFF80  }
0x75: {  	_ =	swait.ge [sflag:s20], $0x80  }
0x76: {  	[sflag:s20] =	ssyncset.done $0x0  }
0x77: {  	[sflag:s20] =	ssyncadd.s32 $0xFFFFFF80  }
0x78: {  	_ =	swait.ge [sflag:s20], $0x80  }
0x79: {  	[sflag:s20] =	ssyncset.done $0x0  }
0x7a: {  	[sflag:s20] =	ssyncadd.s32 $0xFFFFFF80  }
0x7b: {  	v3 =	vld [tilespmem:$0x80]  }
0x7c: {  	v2 =	vld [tilespmem:$0x90]  }
0x7d: {  	v0 =	vld [tilespmem:$0xA0]  }
0x7e: {  	s24 =	simm.s32 $0x920;
	v1 =	vld [tilespmem:$0xB0]  }
0x7f: {  	s23 =	simm.s32 $0x0;
	s25 =	simm.s32 $0x200;
	v4 =	vld [tilespmem:s24+$0xFFFFFFE0]  }
.LBB2_4:
0x80: {  	p0 =	sne.s32 s25, $0x3E00  }
0x81: {  	v5 =	vld [tilespmem:s24+$0xFFFFFFF0];
	_ =	sdelay $0x1  }
0x82: {  	v6 =	vld [tilespmem:s24+$0x0]  }
0x83: {  	v4 =	vmul.f32 v4, v3  }
0x84: {  	v7 =	vld [tilespmem:s24+$0x10]  }
0x85: {  	v4 =	vadd.f32 $0.0e+00, v4;
	v5 =	vmul.f32 v5, v2;
	_ =	sdelay $0x1  }
0x86: {  	v4 =	vadd.f32 v5, v4;
	v5 =	vmul.f32 v6, v0;
	_ =	sdelay $0x1  }
0x87: {  	v4 =	vadd.f32 v5, v4;
	v5 =	vmul.f32 v7, v1  }
.Ltmp1:
0x88: {  	(pc) =	sbr.rel @p0 .LBB2_4-.Ltmp1, $4  }
0x89: {  	v4 =	vadd.f32 v5, v4  }
0x8a: {  	s26 =	sshra.s32 s23, $0x2;
	s23 =	smov.u32 s25  }
0x8b: {  	s24 =	sadd.s32 $0x40, s24;
	[tilespmem:s26+$0x1100] =	vst v4  }
0x8c: {  	s25 =	sadd.s32 $0x200, s25;
	v4 =	vld [tilespmem:s24+$0xFFFFFFE0]  }
0x8d: {  	_ = 	snop  }
0x8e: {  	v5 =	vld [tilespmem:s24+$0xFFFFFFF0];
	_ =	sdelay $0x1  }
0x8f: {  	v6 =	vld [tilespmem:s24+$0x0]  }
0x90: {  	v3 =	vmul.f32 v4, v3  }
0x91: {  	v63 =	vld [tilespmem:s24+$0x10]  }
0x92: {  	v2 =	vmul.f32 v5, v2;
	v3 =	vadd.f32 $0.0e+00, v3;
	_ =	sdelay $0x1  }
0x93: {  	v0 =	vmul.f32 v6, v0;
	v2 =	vadd.f32 v2, v3;
	_ =	sdelay $0x1  }
0x94: {  	v1 =	vmul.f32 v63, v1;
	v0 =	vadd.f32 v0, v2;
	_ =	sdelay $0x1  }
0x95: {  	s22 =	sadd.s32 $0x1, s22;
	v0 =	vadd.f32 v1, v0  }
0x96: {  	s23 =	sshra.s32 s23, $0x2;
	p0 =	sne.s32 s22, s7  }
.Ltmp2:
0x97: {  	[tilespmem:s23+$0x1100] =	vst v0;
	(pc) =	sbr.rel @p0 .LBB2_1-.Ltmp2, $4  }
0x98: {  	[hbm4b:s6+s4] =	stream.linear.scatter [tilespmem:s21], [sflag:$0x2], $0x1000, $0x38;
	[tilespmem:$0x2100] =	vst v63  }
0x99: {  	_ =	swait.ge [sflag:s9], $0x1000  }
0x9a: {  	[sflag:s9] =	ssyncset.done $0x0  }
0x9b: {  	[sflag:s9] =	ssyncadd.s32 $0xFFFFF000  }
0x9c: {  	_ =	sfence.sel $0x180000  }
0x9d: {  	[bflag:$0x0] =	sbarrier.arrive $0xFFFF  }
0x9e: {  	_ =	strace $0x90000047  }
0x9f: {  	s0 =	stileid.u32;
	[bflag:$0x2] =	sbarrier.arrive $0xFFFF  }
0xa0: {  	p0 =	sne.s32 s0, $0x0;
	s0 =	rddreg [dreg:$0x3]  }
0xa1: {  	s0 =	sadd.s32 @!p0 $0x100000, s0  }
0xa2: {  	[sflag:s0] =	ssyncadd.tile.s32 @!p0 $0x1;
	_ =	shalt  }
.Lfunc_end2:
_tile_overlayer_lowered:
.L_overlay_start_2:
0xa3: {  	(tag) =	ssettag $0x2  }
0xa4: {  	s0 =	rddreg [dreg:$0x0];
	s2 =	stileid.u32  }
0xa5: {  	s1 =	rddreg [dreg:$0x1];
	p0 =	sne.s32 s2, $0x0  }
0xa6: {  	s3 =	rddreg [dreg:$0x2];
	[bflag:$0x3] =	sbarrier.arrive $0xFFFF;
	s2 =	simm.s32 @!p0 $0x1C02  }
0xa7: {  	[timem:s3], [sflag:s2] =	dma.local @!p0 [hbm:s0], s1  }
0xa8: {  	s0 =	simm.s32 @!p0 $0x2  }
0xa9: {  	_ =	swait.ge @!p0 [sflag:s0], s1  }
0xaa: {  	s1 =	ssub.s32 @!p0 $0x0, s1;
	[sflag:s0] =	ssyncset.done @!p0 $0x0  }
0xab: {  	[sflag:s0] =	ssyncadd.s32 @!p0 s1  }
0xac: {  	[bflag:$0x3] =	sbarrier.arrive $0xFFFF  }
0xad: {  	_ =	shalt  }

</sc_bundles>
